<compile_context>
chip_gen: v7x
topology: tpu7x:2x2x1
jax: 0.10.2.dev20260603
libtpu: 0.0.44.dev20260713+nightly
codegen_flags: <defaults>
</compile_context>

<pallas_src>
import functools

import jax
import jax.numpy as jnp
from jax import lax
from jax.experimental import pallas as pl
from jax.experimental.pallas import tpu as pltpu
from jax.experimental.pallas import tpu_sc as plsc

N = 10000
E = 320000
D_IN = 128
R1 = 8
R2 = 16
N1 = 32

NC = 2
NS = 16
NW = NC * NS

C = 64
CH = 160
STG = 32
NBUF = 4
E_PAD = NW * CH * C

N_P = 10016
N_B = N_P // NS
N_ACC = 10240
ROWS_T = N_ACC // NS
PAD_ROW = 10008


def _tc_layer1_body(acc_ref, x_ref, wrel_ref, b_ref, wroot_ref, h1_ref):
    agg = acc_ref[0, :N_P, :] + acc_ref[1, :N_P, :]
    h1_ref[...] = jnp.maximum(
        jnp.dot(agg, wrel_ref[...], preferred_element_type=jnp.float32)
        + b_ref[...]
        + jnp.dot(x_ref[...], wroot_ref[...],
                  preferred_element_type=jnp.float32), 0.0)


def _tc_head_body(acc_ref, h1_ref, wrel_ref, b_ref, wroot_ref,
                  wfc1_ref, bfc1_ref, wfc2_ref, bfc2_ref, out_ref):
    agg = acc_ref[0, :N_P, :] + acc_ref[1, :N_P, :]
    h2 = jnp.maximum(
        jnp.dot(agg, wrel_ref[...], preferred_element_type=jnp.float32)
        + b_ref[...]
        + jnp.dot(h1_ref[...], wroot_ref[...],
                  preferred_element_type=jnp.float32), 0.0)
    h3 = jnp.maximum(
        jnp.dot(h2, wfc1_ref[...], preferred_element_type=jnp.float32)
        + bfc1_ref[...], 0.0)
    o = jnp.dot(h3, wfc2_ref[...], preferred_element_type=jnp.float32) \
        + bfc2_ref[...]
    valid = lax.broadcasted_iota(jnp.int32, (N_P, 1), 0) < N
    s = jnp.sum(jnp.where(valid, o, 0.0))
    out_ref[...] = o - s * (1.0 / N)


@functools.cache
def _make_sc_scatter_add(D):
    DP = min(D, 64)
    NPASS = D // DP
    mesh = plsc.VectorSubcoreMesh(core_axis_name="c", subcore_axis_name="s",
                                  num_cores=NC, num_subcores=NS)

    @functools.partial(
        pl.kernel,
        out_type=jax.ShapeDtypeStruct((NC, N_ACC, D), jnp.float32),
        mesh=mesh,
        scratch_types=[
            pltpu.VMEM((STG, C), jnp.int32),
            pltpu.VMEM((STG, C), jnp.int32),
            [pltpu.VMEM((C, DP), jnp.float32) for _ in range(NBUF)],
            [pltpu.SemaphoreType.DMA for _ in range(NBUF)],
            pltpu.VMEM_SHARED((N_P, DP), jnp.float32),
            pltpu.VMEM_SHARED((N_ACC, DP), jnp.float32),
        ],
        compiler_params=pltpu.CompilerParams(use_tc_tiling_on_sc=False),
    )
    def _sc_scatter_add(tab_hbm, src_hbm, dst_hbm, zeros_hbm, out_hbm,
                        src_v, dst_v, rows, sems, tab_sh, acc_sh):
        c = lax.axis_index("c")
        s = lax.axis_index("s")
        row0 = s * ROWS_T
        wid = s * NC + c

        for f in range(NPASS):
            pltpu.sync_copy(tab_hbm.at[f, pl.ds(s * N_B, N_B)],
                            tab_sh.at[pl.ds(s * N_B, N_B)])
            pltpu.sync_copy(zeros_hbm.at[pl.ds(row0, ROWS_T)],
                            acc_sh.at[pl.ds(row0, ROWS_T)])
            plsc.subcore_barrier()

            def _stage(t, carry):
                sbase = wid * CH + t * STG
                pltpu.sync_copy(src_hbm.at[pl.ds(sbase, STG)], src_v)
                pltpu.sync_copy(dst_hbm.at[pl.ds(sbase, STG)], dst_v)
                for k in range(NBUF):
                    pltpu.async_copy(tab_sh.at[src_v.at[k]], rows[k], sems[k])

                def _group(g, carry2):
                    for k in range(NBUF):
                        q = g * NBUF + k
                        pltpu.make_async_copy(tab_sh.at[src_v.at[q]], rows[k],
                                              sems[k]).wait()
                        pltpu.sync_copy(rows[k], acc_sh.at[dst_v.at[q]],
                                        add=True)

                        @pl.when(q + NBUF < STG)
                        def _():
                            pltpu.async_copy(tab_sh.at[src_v.at[q + NBUF]],
                                             rows[k], sems[k])
                    return carry2
                lax.fori_loop(0, STG // NBUF, _group, 0)
                return carry
            lax.fori_loop(0, CH // STG, _stage, 0)
            plsc.subcore_barrier()

            pltpu.sync_copy(acc_sh.at[pl.ds(row0, ROWS_T)],
                            out_hbm.at[c, pl.ds(row0, ROWS_T),
                                       pl.ds(f * DP, DP)])

    return _sc_scatter_add


def kernel(x, edge_index, W_rel1, b_rel1, W_root1, W_rel2, b_rel2, W_root2,
           W_fc1, b_fc1, W_fc2, b_fc2):
    ei = edge_index.astype(jnp.int32)
    ei = jnp.concatenate(
        [ei, jnp.full((2, E_PAD - E), PAD_ROW, jnp.int32)], axis=1)
    src2 = ei[0].reshape(NW * CH, C)
    dst2 = ei[1].reshape(NW * CH, C)

    x_pad = jnp.pad(x, ((0, N_P - N), (0, 0)))
    x_tab = jnp.stack([x_pad[:, :64], x_pad[:, 64:]])
    z64 = jnp.zeros((N_ACC, 64), jnp.float32)
    z8 = jnp.zeros((N_ACC, R1), jnp.float32)

    acc1 = _make_sc_scatter_add(D_IN)(x_tab, src2, dst2, z64)

    h1 = pl.pallas_call(
        _tc_layer1_body,
        out_shape=jax.ShapeDtypeStruct((N_P, R1), jnp.float32),
    )(acc1, x_pad, W_rel1, b_rel1.reshape(1, R1), W_root1)

    acc2 = _make_sc_scatter_add(R1)(h1.reshape(1, N_P, R1), src2, dst2, z8)

    out = pl.pallas_call(
        _tc_head_body,
        out_shape=jax.ShapeDtypeStruct((N_P, 1), jnp.float32),
    )(acc2, h1, W_rel2, b_rel2.reshape(1, R2), W_root2,
      W_fc1, b_fc1.reshape(1, N1), W_fc2, b_fc2.reshape(1, 1))

    return out[:N]

# --- scband reference (transcript-rebuilt; emitter-appended) ---
"""Pipeline reference for scband-gcnprediction-net2-13297218748541 (READ-ONLY COPY).

The authoritative reference and input builder live on the scoring server;
editing this copy changes nothing except your own understanding.
"""

import jax, jax.numpy as jnp
import numpy as np

N_NODES = 10000
N_EDGES = 320000
D_IN = 128
R1 = 8
R2 = 16
N1 = 32


def setup_inputs(seed: int = 0) -> dict:
    key = jax.random.key(seed)
    ks = jax.random.split(key, 12)
    x = jax.random.normal(ks[0], (N_NODES, D_IN), dtype=jnp.float32)
    edge_index = jax.random.randint(ks[1], (2, N_EDGES), 0, N_NODES, dtype=jnp.int64)
    # GraphConv gcn1: lin_rel (weight+bias) and lin_root (weight only)
    W_rel1 = jax.random.normal(ks[2], (D_IN, R1), dtype=jnp.float32) / np.sqrt(D_IN)
    b_rel1 = jnp.zeros((R1,), dtype=jnp.float32)
    W_root1 = jax.random.normal(ks[3], (D_IN, R1), dtype=jnp.float32) / np.sqrt(D_IN)
    # GraphConv gcn2
    W_rel2 = jax.random.normal(ks[4], (R1, R2), dtype=jnp.float32) / np.sqrt(R1)
    b_rel2 = jnp.zeros((R2,), dtype=jnp.float32)
    W_root2 = jax.random.normal(ks[5], (R1, R2), dtype=jnp.float32) / np.sqrt(R1)
    # fc1
    W_fc1 = jax.random.normal(ks[6], (R2, N1), dtype=jnp.float32) / np.sqrt(R2)
    b_fc1 = jnp.zeros((N1,), dtype=jnp.float32)
    # fc2
    W_fc2 = jax.random.normal(ks[7], (N1, 1), dtype=jnp.float32) / np.sqrt(N1)
    b_fc2 = jnp.zeros((1,), dtype=jnp.float32)
    return {
        "x": x,
        "edge_index": edge_index,
        "W_rel1": W_rel1, "b_rel1": b_rel1, "W_root1": W_root1,
        "W_rel2": W_rel2, "b_rel2": b_rel2, "W_root2": W_root2,
        "W_fc1": W_fc1, "b_fc1": b_fc1,
        "W_fc2": W_fc2, "b_fc2": b_fc2,
    }


def _graph_conv(x, edge_index, W_rel, b_rel, W_root):
    # PyG GraphConv with aggr='add':
    # out_i = W_rel @ (sum_{j in N(i)} x_j) + b_rel + W_root @ x_i
    src = edge_index[0]
    dst = edge_index[1]
    msg = jnp.take(x, src, axis=0)                      # gather [E, d]
    agg = jax.ops.segment_sum(msg, dst, num_segments=x.shape[0])  # scatter-add
    return agg @ W_rel + b_rel + x @ W_root


def reference(x, edge_index, W_rel1, b_rel1, W_root1, W_rel2, b_rel2, W_root2,
              W_fc1, b_fc1, W_fc2, b_fc2):
    h = jax.nn.relu(_graph_conv(x, edge_index, W_rel1, b_rel1, W_root1))
    h = jax.nn.relu(_graph_conv(h, edge_index, W_rel2, b_rel2, W_root2))
    h = jax.nn.relu(h @ W_fc1 + b_fc1)
    h = h @ W_fc2 + b_fc2
    h = h - jnp.mean(h)
    return h

if __name__ == "__main__":
    import jax
    _d = setup_inputs()
    print(jax.jit(kernel)(*tuple(_d.values())))

</pallas_src>

<mosaic_0001>
#map = affine_map<(d0, d1) -> (0, 0, 0)>
#map1 = affine_map<(d0, d1) -> (0, 0)>
module attributes {stable_mosaic.version = 14 : i64} {
  func.func @_sc_scatter_add(%arg0: i32, %arg1: i32, %arg2: memref<1x10016x8xf32, #tpu.memory_space<hbm>>, %arg3: memref<5120x64xi32, #tpu.memory_space<hbm>>, %arg4: memref<5120x64xi32, #tpu.memory_space<hbm>>, %arg5: memref<10240x8xf32, #tpu.memory_space<hbm>>, %arg6: memref<2x10240x8xf32, #tpu.memory_space<hbm>>, %arg7: memref<32x64xi32, #tpu.memory_space<vmem>>, %arg8: memref<32x64xi32, #tpu.memory_space<vmem>>, %arg9: memref<64x8xf32, #tpu.memory_space<vmem>>, %arg10: memref<64x8xf32, #tpu.memory_space<vmem>>, %arg11: memref<64x8xf32, #tpu.memory_space<vmem>>, %arg12: memref<64x8xf32, #tpu.memory_space<vmem>>, %arg13: memref<!tpu.dma_semaphore, #tpu.memory_space<semaphore_mem>>, %arg14: memref<!tpu.dma_semaphore, #tpu.memory_space<semaphore_mem>>, %arg15: memref<!tpu.dma_semaphore, #tpu.memory_space<semaphore_mem>>, %arg16: memref<!tpu.dma_semaphore, #tpu.memory_space<semaphore_mem>>, %arg17: memref<10016x8xf32, #tpu.memory_space<vmem_shared>>, %arg18: memref<10240x8xf32, #tpu.memory_space<vmem_shared>>) attributes {dimension_semantics = [#tpu.dimension_semantics<core_parallel>, #tpu.dimension_semantics<subcore_parallel>], iteration_bounds = array<i64: 2, 16>, scalar_prefetch = 0 : i64, scratch_operands = 12 : i64, tpu.core_type = #tpu.core_type<sc_vector_subcore>, window_params = [{transform_indices = #map}, {transform_indices = #map1}, {transform_indices = #map1}, {transform_indices = #map1}, {transform_indices = #map}]} {
    %mul3A = arith.constant 640 : i32
    %mul3A_0 = arith.muli %arg1, %mul3A : i32
    %mul3A_1 = arith.constant 2 : i32
    %mul3A_2 = arith.muli %arg1, %mul3A_1 : i32
    %add3A = arith.addi %mul3A_2, %arg0 : i32
    %mul3A_3 = arith.constant 626 : i32
    %mul3A_4 = arith.muli %arg1, %mul3A_3 : i32
    %mul3A_5 = arith.constant 626 : i32
    %mul3A_6 = arith.muli %arg1, %mul3A_5 : i32
    %run_scoped3A = arith.constant 0 : i32
    "tpu.region"() ({
      %run_scoped3A_13 = tpu.sem_alloc : memref<!tpu.dma_semaphore, #tpu.memory_space<semaphore_mem>>
      %dma_start3A = arith.constant 0 : i32
      %dma_start3A_14 = tpu.memref_slice %arg17[%mul3A_6, %dma_start3A] : memref<10016x8xf32, #tpu.memory_space<vmem_shared>> -> memref<626x8xf32, #tpu.memory_space<vmem_shared>>
      %dma_start3A_15 = arith.constant 0 : i32
      %dma_start3A_16 = tpu.memref_slice %arg2[%run_scoped3A, %mul3A_4, %dma_start3A_15] : memref<1x10016x8xf32, #tpu.memory_space<hbm>> -> memref<1x626x8xf32, #tpu.memory_space<hbm>>
      %dma_start3A_17 = tpu.memref_squeeze %dma_start3A_16 : memref<1x626x8xf32, #tpu.memory_space<hbm>> -> memref<626x8xf32, #tpu.memory_space<hbm>>
      tpu.enqueue_dma source(%dma_start3A_17 : memref<626x8xf32, #tpu.memory_space<hbm>>) target(%dma_start3A_14 : memref<626x8xf32, #tpu.memory_space<vmem_shared>>) target_semaphore(%run_scoped3A_13 : memref<!tpu.dma_semaphore, #tpu.memory_space<semaphore_mem>>)
      %dma_wait3A = arith.constant 0 : i32
      %dma_wait3A_18 = tpu.memref_slice %arg17[%mul3A_6, %dma_wait3A] : memref<10016x8xf32, #tpu.memory_space<vmem_shared>> -> memref<626x8xf32, #tpu.memory_space<vmem_shared>>
      %dma_wait3A_19 = arith.constant 0 : i32
      %dma_wait3A_20 = tpu.memref_slice %arg2[%run_scoped3A, %mul3A_4, %dma_wait3A_19] : memref<1x10016x8xf32, #tpu.memory_space<hbm>> -> memref<1x626x8xf32, #tpu.memory_space<hbm>>
      %dma_wait3A_21 = tpu.memref_squeeze %dma_wait3A_20 : memref<1x626x8xf32, #tpu.memory_space<hbm>> -> memref<626x8xf32, #tpu.memory_space<hbm>>
      tpu.wait_dma2 semaphore(%run_scoped3A_13 : memref<!tpu.dma_semaphore, #tpu.memory_space<semaphore_mem>>) src(%dma_wait3A_21 : memref<626x8xf32, #tpu.memory_space<hbm>>) dst(%dma_wait3A_18 : memref<626x8xf32, #tpu.memory_space<vmem_shared>>)
      tpu.yield
    }) : () -> ()
    "tpu.region"() ({
      %run_scoped3A_13 = tpu.sem_alloc : memref<!tpu.dma_semaphore, #tpu.memory_space<semaphore_mem>>
      %dma_start3A = arith.constant 0 : i32
      %dma_start3A_14 = tpu.memref_slice %arg18[%mul3A_0, %dma_start3A] : memref<10240x8xf32, #tpu.memory_space<vmem_shared>> -> memref<640x8xf32, #tpu.memory_space<vmem_shared>>
      %dma_start3A_15 = arith.constant 0 : i32
      %dma_start3A_16 = tpu.memref_slice %arg5[%mul3A_0, %dma_start3A_15] : memref<10240x8xf32, #tpu.memory_space<hbm>> -> memref<640x8xf32, #tpu.memory_space<hbm>>
      tpu.enqueue_dma source(%dma_start3A_16 : memref<640x8xf32, #tpu.memory_space<hbm>>) target(%dma_start3A_14 : memref<640x8xf32, #tpu.memory_space<vmem_shared>>) target_semaphore(%run_scoped3A_13 : memref<!tpu.dma_semaphore, #tpu.memory_space<semaphore_mem>>)
      %dma_wait3A = arith.constant 0 : i32
      %dma_wait3A_17 = tpu.memref_slice %arg18[%mul3A_0, %dma_wait3A] : memref<10240x8xf32, #tpu.memory_space<vmem_shared>> -> memref<640x8xf32, #tpu.memory_space<vmem_shared>>
      %dma_wait3A_18 = arith.constant 0 : i32
      %dma_wait3A_19 = tpu.memref_slice %arg5[%mul3A_0, %dma_wait3A_18] : memref<10240x8xf32, #tpu.memory_space<hbm>> -> memref<640x8xf32, #tpu.memory_space<hbm>>
      tpu.wait_dma2 semaphore(%run_scoped3A_13 : memref<!tpu.dma_semaphore, #tpu.memory_space<semaphore_mem>>) src(%dma_wait3A_19 : memref<640x8xf32, #tpu.memory_space<hbm>>) dst(%dma_wait3A_17 : memref<640x8xf32, #tpu.memory_space<vmem_shared>>)
      tpu.yield
    }) : () -> ()
    %barrier3A = arith.constant 0 : index
    tpu.barrier barrier_id(%barrier3A)
    %scan3A = arith.constant 0 : i32
    %scan3A_7 = arith.constant 0 : i32
    %scan3A_8 = arith.constant 5 : i32
    %scan3A_9 = arith.addi %scan3A_7, %scan3A_8 : i32
    %scan3A_10 = arith.constant 1 : i32
    scf.for %scan3A_13 = %scan3A_7 to %scan3A_9 step %scan3A_10  : i32 {
      %mul3A_14 = arith.constant 160 : i32
      %mul3A_15 = arith.muli %add3A, %mul3A_14 : i32
      %mul3A_16 = arith.constant 32 : i32
      %mul3A_17 = arith.muli %scan3A_13, %mul3A_16 : i32
      %add3A_18 = arith.addi %mul3A_15, %mul3A_17 : i32
      "tpu.region"() ({
        %run_scoped3A_52 = tpu.sem_alloc : memref<!tpu.dma_semaphore, #tpu.memory_space<semaphore_mem>>
        %dma_start3A_53 = arith.constant 0 : i32
        %dma_start3A_54 = tpu.memref_slice %arg3[%add3A_18, %dma_start3A_53] : memref<5120x64xi32, #tpu.memory_space<hbm>> -> memref<32x64xi32, #tpu.memory_space<hbm>>
        %dma_start3A_55 = arith.constant 0 : i32
        %dma_start3A_56 = tpu.memref_slice %arg3[%add3A_18, %dma_start3A_55] : memref<5120x64xi32, #tpu.memory_space<hbm>> -> memref<32x64xi32, #tpu.memory_space<hbm>>
        tpu.enqueue_dma source(%dma_start3A_56 : memref<32x64xi32, #tpu.memory_space<hbm>>) target(%arg7 : memref<32x64xi32, #tpu.memory_space<vmem>>) target_semaphore(%run_scoped3A_52 : memref<!tpu.dma_semaphore, #tpu.memory_space<semaphore_mem>>)
        %dma_wait3A = arith.constant 0 : i32
        %dma_wait3A_57 = tpu.memref_slice %arg3[%add3A_18, %dma_wait3A] : memref<5120x64xi32, #tpu.memory_space<hbm>> -> memref<32x64xi32, #tpu.memory_space<hbm>>
        %dma_wait3A_58 = arith.constant 0 : i32
        %dma_wait3A_59 = tpu.memref_slice %arg3[%add3A_18, %dma_wait3A_58] : memref<5120x64xi32, #tpu.memory_space<hbm>> -> memref<32x64xi32, #tpu.memory_space<hbm>>
        tpu.wait_dma2 semaphore(%run_scoped3A_52 : memref<!tpu.dma_semaphore, #tpu.memory_space<semaphore_mem>>) src(%dma_wait3A_59 : memref<32x64xi32, #tpu.memory_space<hbm>>) dst(%arg7 : memref<32x64xi32, #tpu.memory_space<vmem>>)
        tpu.yield
      }) : () -> ()
      "tpu.region"() ({
        %run_scoped3A_52 = tpu.sem_alloc : memref<!tpu.dma_semaphore, #tpu.memory_space<semaphore_mem>>
        %dma_start3A_53 = arith.constant 0 : i32
        %dma_start3A_54 = tpu.memref_slice %arg4[%add3A_18, %dma_start3A_53] : memref<5120x64xi32, #tpu.memory_space<hbm>> -> memref<32x64xi32, #tpu.memory_space<hbm>>
        %dma_start3A_55 = arith.constant 0 : i32
        %dma_start3A_56 = tpu.memref_slice %arg4[%add3A_18, %dma_start3A_55] : memref<5120x64xi32, #tpu.memory_space<hbm>> -> memref<32x64xi32, #tpu.memory_space<hbm>>
        tpu.enqueue_dma source(%dma_start3A_56 : memref<32x64xi32, #tpu.memory_space<hbm>>) target(%arg8 : memref<32x64xi32, #tpu.memory_space<vmem>>) target_semaphore(%run_scoped3A_52 : memref<!tpu.dma_semaphore, #tpu.memory_space<semaphore_mem>>)
        %dma_wait3A = arith.constant 0 : i32
        %dma_wait3A_57 = tpu.memref_slice %arg4[%add3A_18, %dma_wait3A] : memref<5120x64xi32, #tpu.memory_space<hbm>> -> memref<32x64xi32, #tpu.memory_space<hbm>>
        %dma_wait3A_58 = arith.constant 0 : i32
        %dma_wait3A_59 = tpu.memref_slice %arg4[%add3A_18, %dma_wait3A_58] : memref<5120x64xi32, #tpu.memory_space<hbm>> -> memref<32x64xi32, #tpu.memory_space<hbm>>
        tpu.wait_dma2 semaphore(%run_scoped3A_52 : memref<!tpu.dma_semaphore, #tpu.memory_space<semaphore_mem>>) src(%dma_wait3A_59 : memref<32x64xi32, #tpu.memory_space<hbm>>) dst(%arg8 : memref<32x64xi32, #tpu.memory_space<vmem>>)
        tpu.yield
      }) : () -> ()
      %dma_start3A = arith.constant 0 : i32
      %dma_start3A_19 = arith.constant 0 : i32
      %dma_start3A_20 = tpu.memref_slice %arg7[%dma_start3A, %dma_start3A_19] : memref<32x64xi32, #tpu.memory_space<vmem>> -> memref<1x64xi32, #tpu.memory_space<vmem>>
      %dma_start3A_21 = tpu.memref_squeeze %dma_start3A_20 : memref<1x64xi32, #tpu.memory_space<vmem>> -> memref<64xi32, #tpu.memory_space<vmem>>
      %dma_start3A_22 = arith.constant 0 : i32
      %dma_start3A_23 = arith.constant 0 : i32
      %dma_start3A_24 = tpu.memref_slice %arg17[%dma_start3A_22, %dma_start3A_23] : memref<10016x8xf32, #tpu.memory_space<vmem_shared>> -> memref<10016x8xf32, #tpu.memory_space<vmem_shared>>
      tpu.enqueue_indirect_dma source(%dma_start3A_24 : memref<10016x8xf32, #tpu.memory_space<vmem_shared>>) target(%arg9 : memref<64x8xf32, #tpu.memory_space<vmem>>) offsets(%dma_start3A_21 : memref<64xi32, #tpu.memory_space<vmem>>) semaphore(%arg13 : memref<!tpu.dma_semaphore, #tpu.memory_space<semaphore_mem>>)
      %dma_start3A_25 = arith.constant 1 : i32
      %dma_start3A_26 = arith.constant 0 : i32
      %dma_start3A_27 = tpu.memref_slice %arg7[%dma_start3A_25, %dma_start3A_26] : memref<32x64xi32, #tpu.memory_space<vmem>> -> memref<1x64xi32, #tpu.memory_space<vmem>>
      %dma_start3A_28 = tpu.memref_squeeze %dma_start3A_27 : memref<1x64xi32, #tpu.memory_space<vmem>> -> memref<64xi32, #tpu.memory_space<vmem>>
      %dma_start3A_29 = arith.constant 0 : i32
      %dma_start3A_30 = arith.constant 0 : i32
      %dma_start3A_31 = tpu.memref_slice %arg17[%dma_start3A_29, %dma_start3A_30] : memref<10016x8xf32, #tpu.memory_space<vmem_shared>> -> memref<10016x8xf32, #tpu.memory_space<vmem_shared>>
      tpu.enqueue_indirect_dma source(%dma_start3A_31 : memref<10016x8xf32, #tpu.memory_space<vmem_shared>>) target(%arg10 : memref<64x8xf32, #tpu.memory_space<vmem>>) offsets(%dma_start3A_28 : memref<64xi32, #tpu.memory_space<vmem>>) semaphore(%arg14 : memref<!tpu.dma_semaphore, #tpu.memory_space<semaphore_mem>>)
      %dma_start3A_32 = arith.constant 2 : i32
      %dma_start3A_33 = arith.constant 0 : i32
      %dma_start3A_34 = tpu.memref_slice %arg7[%dma_start3A_32, %dma_start3A_33] : memref<32x64xi32, #tpu.memory_space<vmem>> -> memref<1x64xi32, #tpu.memory_space<vmem>>
      %dma_start3A_35 = tpu.memref_squeeze %dma_start3A_34 : memref<1x64xi32, #tpu.memory_space<vmem>> -> memref<64xi32, #tpu.memory_space<vmem>>
      %dma_start3A_36 = arith.constant 0 : i32
      %dma_start3A_37 = arith.constant 0 : i32
      %dma_start3A_38 = tpu.memref_slice %arg17[%dma_start3A_36, %dma_start3A_37] : memref<10016x8xf32, #tpu.memory_space<vmem_shared>> -> memref<10016x8xf32, #tpu.memory_space<vmem_shared>>
      tpu.enqueue_indirect_dma source(%dma_start3A_38 : memref<10016x8xf32, #tpu.memory_space<vmem_shared>>) target(%arg11 : memref<64x8xf32, #tpu.memory_space<vmem>>) offsets(%dma_start3A_35 : memref<64xi32, #tpu.memory_space<vmem>>) semaphore(%arg15 : memref<!tpu.dma_semaphore, #tpu.memory_space<semaphore_mem>>)
      %dma_start3A_39 = arith.constant 3 : i32
      %dma_start3A_40 = arith.constant 0 : i32
      %dma_start3A_41 = tpu.memref_slice %arg7[%dma_start3A_39, %dma_start3A_40] : memref<32x64xi32, #tpu.memory_space<vmem>> -> memref<1x64xi32, #tpu.memory_space<vmem>>
      %dma_start3A_42 = tpu.memref_squeeze %dma_start3A_41 : memref<1x64xi32, #tpu.memory_space<vmem>> -> memref<64xi32, #tpu.memory_space<vmem>>
      %dma_start3A_43 = arith.constant 0 : i32
      %dma_start3A_44 = arith.constant 0 : i32
      %dma_start3A_45 = tpu.memref_slice %arg17[%dma_start3A_43, %dma_start3A_44] : memref<10016x8xf32, #tpu.memory_space<vmem_shared>> -> memref<10016x8xf32, #tpu.memory_space<vmem_shared>>
      tpu.enqueue_indirect_dma source(%dma_start3A_45 : memref<10016x8xf32, #tpu.memory_space<vmem_shared>>) target(%arg12 : memref<64x8xf32, #tpu.memory_space<vmem>>) offsets(%dma_start3A_42 : memref<64xi32, #tpu.memory_space<vmem>>) semaphore(%arg16 : memref<!tpu.dma_semaphore, #tpu.memory_space<semaphore_mem>>)
      %scan3A_46 = arith.constant 0 : i32
      %scan3A_47 = arith.constant 0 : i32
      %scan3A_48 = arith.constant 8 : i32
      %scan3A_49 = arith.addi %scan3A_47, %scan3A_48 : i32
      %scan3A_50 = arith.constant 1 : i32
      scf.for %scan3A_52 = %scan3A_47 to %scan3A_49 step %scan3A_50  : i32 {
        %mul3A_53 = arith.constant 4 : i32
        %mul3A_54 = arith.muli %scan3A_52, %mul3A_53 : i32
        %add3A_55 = arith.constant 0 : i32
        %add3A_56 = arith.addi %mul3A_54, %add3A_55 : i32
        %dma_wait3A = arith.constant 0 : i32
        %dma_wait3A_57 = tpu.memref_slice %arg7[%add3A_56, %dma_wait3A] : memref<32x64xi32, #tpu.memory_space<vmem>> -> memref<1x64xi32, #tpu.memory_space<vmem>>
        %dma_wait3A_58 = tpu.memref_squeeze %dma_wait3A_57 : memref<1x64xi32, #tpu.memory_space<vmem>> -> memref<64xi32, #tpu.memory_space<vmem>>
        %dma_wait3A_59 = arith.constant 0 : i32
        %dma_wait3A_60 = arith.constant 0 : i32
        %dma_wait3A_61 = tpu.memref_slice %arg17[%dma_wait3A_59, %dma_wait3A_60] : memref<10016x8xf32, #tpu.memory_space<vmem_shared>> -> memref<10016x8xf32, #tpu.memory_space<vmem_shared>>
        tpu.wait_indirect_dma semaphore(%arg13 : memref<!tpu.dma_semaphore, #tpu.memory_space<semaphore_mem>>) src(%dma_wait3A_61 : memref<10016x8xf32, #tpu.memory_space<vmem_shared>>) dst(%arg9 : memref<64x8xf32, #tpu.memory_space<vmem>>)
        "tpu.region"() ({
          %run_scoped3A_117 = tpu.sem_alloc : memref<!tpu.dma_semaphore, #tpu.memory_space<semaphore_mem>>
          %dma_start3A_118 = arith.constant 0 : i32
          %dma_start3A_119 = tpu.memref_slice %arg8[%add3A_56, %dma_start3A_118] : memref<32x64xi32, #tpu.memory_space<vmem>> -> memref<1x64xi32, #tpu.memory_space<vmem>>
          %dma_start3A_120 = tpu.memref_squeeze %dma_start3A_119 : memref<1x64xi32, #tpu.memory_space<vmem>> -> memref<64xi32, #tpu.memory_space<vmem>>
          %dma_start3A_121 = arith.constant 0 : i32
          %dma_start3A_122 = arith.constant 0 : i32
          %dma_start3A_123 = tpu.memref_slice %arg18[%dma_start3A_121, %dma_start3A_122] : memref<10240x8xf32, #tpu.memory_space<vmem_shared>> -> memref<10240x8xf32, #tpu.memory_space<vmem_shared>>
          tpu.enqueue_indirect_dma source(%arg9 : memref<64x8xf32, #tpu.memory_space<vmem>>) target(%dma_start3A_123 : memref<10240x8xf32, #tpu.memory_space<vmem_shared>>) offsets(%dma_start3A_120 : memref<64xi32, #tpu.memory_space<vmem>>) semaphore(%run_scoped3A_117 : memref<!tpu.dma_semaphore, #tpu.memory_space<semaphore_mem>>) {add = true}
          %dma_wait3A_124 = arith.constant 0 : i32
          %dma_wait3A_125 = tpu.memref_slice %arg8[%add3A_56, %dma_wait3A_124] : memref<32x64xi32, #tpu.memory_space<vmem>> -> memref<1x64xi32, #tpu.memory_space<vmem>>
          %dma_wait3A_126 = tpu.memref_squeeze %dma_wait3A_125 : memref<1x64xi32, #tpu.memory_space<vmem>> -> memref<64xi32, #tpu.memory_space<vmem>>
          %dma_wait3A_127 = arith.constant 0 : i32
          %dma_wait3A_128 = arith.constant 0 : i32
          %dma_wait3A_129 = tpu.memref_slice %arg18[%dma_wait3A_127, %dma_wait3A_128] : memref<10240x8xf32, #tpu.memory_space<vmem_shared>> -> memref<10240x8xf32, #tpu.memory_space<vmem_shared>>
          tpu.wait_indirect_dma semaphore(%run_scoped3A_117 : memref<!tpu.dma_semaphore, #tpu.memory_space<semaphore_mem>>) src(%arg9 : memref<64x8xf32, #tpu.memory_space<vmem>>) dst(%dma_wait3A_129 : memref<10240x8xf32, #tpu.memory_space<vmem_shared>>)
          tpu.yield
        }) : () -> ()
        %add3A_62 = arith.constant 4 : i32
        %add3A_63 = arith.addi %add3A_56, %add3A_62 : i32
        %lt3A = arith.constant 32 : i32
        %lt3A_64 = arith.cmpi slt, %add3A_63, %lt3A : i32
        %convert_element_type3A = arith.extui %lt3A_64 : i1 to i32
        %cond3A = arith.constant 0 : i32
        %cond3A_65 = arith.cmpi ne, %convert_element_type3A, %cond3A : i32
        scf.if %cond3A_65 {
          %add3A_117 = arith.constant 4 : i32
          %add3A_118 = arith.addi %add3A_56, %add3A_117 : i32
          %dma_start3A_119 = arith.constant 0 : i32
          %dma_start3A_120 = tpu.memref_slice %arg7[%add3A_118, %dma_start3A_119] : memref<32x64xi32, #tpu.memory_space<vmem>> -> memref<1x64xi32, #tpu.memory_space<vmem>>
          %dma_start3A_121 = tpu.memref_squeeze %dma_start3A_120 : memref<1x64xi32, #tpu.memory_space<vmem>> -> memref<64xi32, #tpu.memory_space<vmem>>
          %dma_start3A_122 = arith.constant 0 : i32
          %dma_start3A_123 = arith.constant 0 : i32
          %dma_start3A_124 = tpu.memref_slice %arg17[%dma_start3A_122, %dma_start3A_123] : memref<10016x8xf32, #tpu.memory_space<vmem_shared>> -> memref<10016x8xf32, #tpu.memory_space<vmem_shared>>
          tpu.enqueue_indirect_dma source(%dma_start3A_124 : memref<10016x8xf32, #tpu.memory_space<vmem_shared>>) target(%arg9 : memref<64x8xf32, #tpu.memory_space<vmem>>) offsets(%dma_start3A_121 : memref<64xi32, #tpu.memory_space<vmem>>) semaphore(%arg13 : memref<!tpu.dma_semaphore, #tpu.memory_space<semaphore_mem>>)
        } else {
        }
        %mul3A_66 = arith.constant 4 : i32
        %mul3A_67 = arith.muli %scan3A_52, %mul3A_66 : i32
        %add3A_68 = arith.constant 1 : i32
        %add3A_69 = arith.addi %mul3A_67, %add3A_68 : i32
        %dma_wait3A_70 = arith.constant 0 : i32
        %dma_wait3A_71 = tpu.memref_slice %arg7[%add3A_69, %dma_wait3A_70] : memref<32x64xi32, #tpu.memory_space<vmem>> -> memref<1x64xi32, #tpu.memory_space<vmem>>
        %dma_wait3A_72 = tpu.memref_squeeze %dma_wait3A_71 : memref<1x64xi32, #tpu.memory_space<vmem>> -> memref<64xi32, #tpu.memory_space<vmem>>
        %dma_wait3A_73 = arith.constant 0 : i32
        %dma_wait3A_74 = arith.constant 0 : i32
        %dma_wait3A_75 = tpu.memref_slice %arg17[%dma_wait3A_73, %dma_wait3A_74] : memref<10016x8xf32, #tpu.memory_space<vmem_shared>> -> memref<10016x8xf32, #tpu.memory_space<vmem_shared>>
        tpu.wait_indirect_dma semaphore(%arg14 : memref<!tpu.dma_semaphore, #tpu.memory_space<semaphore_mem>>) src(%dma_wait3A_75 : memref<10016x8xf32, #tpu.memory_space<vmem_shared>>) dst(%arg10 : memref<64x8xf32, #tpu.memory_space<vmem>>)
        "tpu.region"() ({
          %run_scoped3A_117 = tpu.sem_alloc : memref<!tpu.dma_semaphore, #tpu.memory_space<semaphore_mem>>
          %dma_start3A_118 = arith.constant 0 : i32
          %dma_start3A_119 = tpu.memref_slice %arg8[%add3A_69, %dma_start3A_118] : memref<32x64xi32, #tpu.memory_space<vmem>> -> memref<1x64xi32, #tpu.memory_space<vmem>>
          %dma_start3A_120 = tpu.memref_squeeze %dma_start3A_119 : memref<1x64xi32, #tpu.memory_space<vmem>> -> memref<64xi32, #tpu.memory_space<vmem>>
          %dma_start3A_121 = arith.constant 0 : i32
          %dma_start3A_122 = arith.constant 0 : i32
          %dma_start3A_123 = tpu.memref_slice %arg18[%dma_start3A_121, %dma_start3A_122] : memref<10240x8xf32, #tpu.memory_space<vmem_shared>> -> memref<10240x8xf32, #tpu.memory_space<vmem_shared>>
          tpu.enqueue_indirect_dma source(%arg10 : memref<64x8xf32, #tpu.memory_space<vmem>>) target(%dma_start3A_123 : memref<10240x8xf32, #tpu.memory_space<vmem_shared>>) offsets(%dma_start3A_120 : memref<64xi32, #tpu.memory_space<vmem>>) semaphore(%run_scoped3A_117 : memref<!tpu.dma_semaphore, #tpu.memory_space<semaphore_mem>>) {add = true}
          %dma_wait3A_124 = arith.constant 0 : i32
          %dma_wait3A_125 = tpu.memref_slice %arg8[%add3A_69, %dma_wait3A_124] : memref<32x64xi32, #tpu.memory_space<vmem>> -> memref<1x64xi32, #tpu.memory_space<vmem>>
          %dma_wait3A_126 = tpu.memref_squeeze %dma_wait3A_125 : memref<1x64xi32, #tpu.memory_space<vmem>> -> memref<64xi32, #tpu.memory_space<vmem>>
          %dma_wait3A_127 = arith.constant 0 : i32
          %dma_wait3A_128 = arith.constant 0 : i32
          %dma_wait3A_129 = tpu.memref_slice %arg18[%dma_wait3A_127, %dma_wait3A_128] : memref<10240x8xf32, #tpu.memory_space<vmem_shared>> -> memref<10240x8xf32, #tpu.memory_space<vmem_shared>>
          tpu.wait_indirect_dma semaphore(%run_scoped3A_117 : memref<!tpu.dma_semaphore, #tpu.memory_space<semaphore_mem>>) src(%arg10 : memref<64x8xf32, #tpu.memory_space<vmem>>) dst(%dma_wait3A_129 : memref<10240x8xf32, #tpu.memory_space<vmem_shared>>)
          tpu.yield
        }) : () -> ()
        %add3A_76 = arith.constant 4 : i32
        %add3A_77 = arith.addi %add3A_69, %add3A_76 : i32
        %lt3A_78 = arith.constant 32 : i32
        %lt3A_79 = arith.cmpi slt, %add3A_77, %lt3A_78 : i32
        %convert_element_type3A_80 = arith.extui %lt3A_79 : i1 to i32
        %cond3A_81 = arith.constant 0 : i32
        %cond3A_82 = arith.cmpi ne, %convert_element_type3A_80, %cond3A_81 : i32
        scf.if %cond3A_82 {
          %add3A_117 = arith.constant 4 : i32
          %add3A_118 = arith.addi %add3A_69, %add3A_117 : i32
          %dma_start3A_119 = arith.constant 0 : i32
          %dma_start3A_120 = tpu.memref_slice %arg7[%add3A_118, %dma_start3A_119] : memref<32x64xi32, #tpu.memory_space<vmem>> -> memref<1x64xi32, #tpu.memory_space<vmem>>
          %dma_start3A_121 = tpu.memref_squeeze %dma_start3A_120 : memref<1x64xi32, #tpu.memory_space<vmem>> -> memref<64xi32, #tpu.memory_space<vmem>>
          %dma_start3A_122 = arith.constant 0 : i32
          %dma_start3A_123 = arith.constant 0 : i32
          %dma_start3A_124 = tpu.memref_slice %arg17[%dma_start3A_122, %dma_start3A_123] : memref<10016x8xf32, #tpu.memory_space<vmem_shared>> -> memref<10016x8xf32, #tpu.memory_space<vmem_shared>>
          tpu.enqueue_indirect_dma source(%dma_start3A_124 : memref<10016x8xf32, #tpu.memory_space<vmem_shared>>) target(%arg10 : memref<64x8xf32, #tpu.memory_space<vmem>>) offsets(%dma_start3A_121 : memref<64xi32, #tpu.memory_space<vmem>>) semaphore(%arg14 : memref<!tpu.dma_semaphore, #tpu.memory_space<semaphore_mem>>)
        } else {
        }
        %mul3A_83 = arith.constant 4 : i32
        %mul3A_84 = arith.muli %scan3A_52, %mul3A_83 : i32
        %add3A_85 = arith.constant 2 : i32
        %add3A_86 = arith.addi %mul3A_84, %add3A_85 : i32
        %dma_wait3A_87 = arith.constant 0 : i32
        %dma_wait3A_88 = tpu.memref_slice %arg7[%add3A_86, %dma_wait3A_87] : memref<32x64xi32, #tpu.memory_space<vmem>> -> memref<1x64xi32, #tpu.memory_space<vmem>>
        %dma_wait3A_89 = tpu.memref_squeeze %dma_wait3A_88 : memref<1x64xi32, #tpu.memory_space<vmem>> -> memref<64xi32, #tpu.memory_space<vmem>>
        %dma_wait3A_90 = arith.constant 0 : i32
        %dma_wait3A_91 = arith.constant 0 : i32
        %dma_wait3A_92 = tpu.memref_slice %arg17[%dma_wait3A_90, %dma_wait3A_91] : memref<10016x8xf32, #tpu.memory_space<vmem_shared>> -> memref<10016x8xf32, #tpu.memory_space<vmem_shared>>
        tpu.wait_indirect_dma semaphore(%arg15 : memref<!tpu.dma_semaphore, #tpu.memory_space<semaphore_mem>>) src(%dma_wait3A_92 : memref<10016x8xf32, #tpu.memory_space<vmem_shared>>) dst(%arg11 : memref<64x8xf32, #tpu.memory_space<vmem>>)
        "tpu.region"() ({
          %run_scoped3A_117 = tpu.sem_alloc : memref<!tpu.dma_semaphore, #tpu.memory_space<semaphore_mem>>
          %dma_start3A_118 = arith.constant 0 : i32
          %dma_start3A_119 = tpu.memref_slice %arg8[%add3A_86, %dma_start3A_118] : memref<32x64xi32, #tpu.memory_space<vmem>> -> memref<1x64xi32, #tpu.memory_space<vmem>>
          %dma_start3A_120 = tpu.memref_squeeze %dma_start3A_119 : memref<1x64xi32, #tpu.memory_space<vmem>> -> memref<64xi32, #tpu.memory_space<vmem>>
          %dma_start3A_121 = arith.constant 0 : i32
          %dma_start3A_122 = arith.constant 0 : i32
          %dma_start3A_123 = tpu.memref_slice %arg18[%dma_start3A_121, %dma_start3A_122] : memref<10240x8xf32, #tpu.memory_space<vmem_shared>> -> memref<10240x8xf32, #tpu.memory_space<vmem_shared>>
          tpu.enqueue_indirect_dma source(%arg11 : memref<64x8xf32, #tpu.memory_space<vmem>>) target(%dma_start3A_123 : memref<10240x8xf32, #tpu.memory_space<vmem_shared>>) offsets(%dma_start3A_120 : memref<64xi32, #tpu.memory_space<vmem>>) semaphore(%run_scoped3A_117 : memref<!tpu.dma_semaphore, #tpu.memory_space<semaphore_mem>>) {add = true}
          %dma_wait3A_124 = arith.constant 0 : i32
          %dma_wait3A_125 = tpu.memref_slice %arg8[%add3A_86, %dma_wait3A_124] : memref<32x64xi32, #tpu.memory_space<vmem>> -> memref<1x64xi32, #tpu.memory_space<vmem>>
          %dma_wait3A_126 = tpu.memref_squeeze %dma_wait3A_125 : memref<1x64xi32, #tpu.memory_space<vmem>> -> memref<64xi32, #tpu.memory_space<vmem>>
          %dma_wait3A_127 = arith.constant 0 : i32
          %dma_wait3A_128 = arith.constant 0 : i32
          %dma_wait3A_129 = tpu.memref_slice %arg18[%dma_wait3A_127, %dma_wait3A_128] : memref<10240x8xf32, #tpu.memory_space<vmem_shared>> -> memref<10240x8xf32, #tpu.memory_space<vmem_shared>>
          tpu.wait_indirect_dma semaphore(%run_scoped3A_117 : memref<!tpu.dma_semaphore, #tpu.memory_space<semaphore_mem>>) src(%arg11 : memref<64x8xf32, #tpu.memory_space<vmem>>) dst(%dma_wait3A_129 : memref<10240x8xf32, #tpu.memory_space<vmem_shared>>)
          tpu.yield
        }) : () -> ()
        %add3A_93 = arith.constant 4 : i32
        %add3A_94 = arith.addi %add3A_86, %add3A_93 : i32
        %lt3A_95 = arith.constant 32 : i32
        %lt3A_96 = arith.cmpi slt, %add3A_94, %lt3A_95 : i32
        %convert_element_type3A_97 = arith.extui %lt3A_96 : i1 to i32
        %cond3A_98 = arith.constant 0 : i32
        %cond3A_99 = arith.cmpi ne, %convert_element_type3A_97, %cond3A_98 : i32
        scf.if %cond3A_99 {
          %add3A_117 = arith.constant 4 : i32
          %add3A_118 = arith.addi %add3A_86, %add3A_117 : i32
          %dma_start3A_119 = arith.constant 0 : i32
          %dma_start3A_120 = tpu.memref_slice %arg7[%add3A_118, %dma_start3A_119] : memref<32x64xi32, #tpu.memory_space<vmem>> -> memref<1x64xi32, #tpu.memory_space<vmem>>
          %dma_start3A_121 = tpu.memref_squeeze %dma_start3A_120 : memref<1x64xi32, #tpu.memory_space<vmem>> -> memref<64xi32, #tpu.memory_space<vmem>>
          %dma_start3A_122 = arith.constant 0 : i32
          %dma_start3A_123 = arith.constant 0 : i32
          %dma_start3A_124 = tpu.memref_slice %arg17[%dma_start3A_122, %dma_start3A_123] : memref<10016x8xf32, #tpu.memory_space<vmem_shared>> -> memref<10016x8xf32, #tpu.memory_space<vmem_shared>>
          tpu.enqueue_indirect_dma source(%dma_start3A_124 : memref<10016x8xf32, #tpu.memory_space<vmem_shared>>) target(%arg11 : memref<64x8xf32, #tpu.memory_space<vmem>>) offsets(%dma_start3A_121 : memref<64xi32, #tpu.memory_space<vmem>>) semaphore(%arg15 : memref<!tpu.dma_semaphore, #tpu.memory_space<semaphore_mem>>)
        } else {
        }
        %mul3A_100 = arith.constant 4 : i32
        %mul3A_101 = arith.muli %scan3A_52, %mul3A_100 : i32
        %add3A_102 = arith.constant 3 : i32
        %add3A_103 = arith.addi %mul3A_101, %add3A_102 : i32
        %dma_wait3A_104 = arith.constant 0 : i32
        %dma_wait3A_105 = tpu.memref_slice %arg7[%add3A_103, %dma_wait3A_104] : memref<32x64xi32, #tpu.memory_space<vmem>> -> memref<1x64xi32, #tpu.memory_space<vmem>>
        %dma_wait3A_106 = tpu.memref_squeeze %dma_wait3A_105 : memref<1x64xi32, #tpu.memory_space<vmem>> -> memref<64xi32, #tpu.memory_space<vmem>>
        %dma_wait3A_107 = arith.constant 0 : i32
        %dma_wait3A_108 = arith.constant 0 : i32
        %dma_wait3A_109 = tpu.memref_slice %arg17[%dma_wait3A_107, %dma_wait3A_108] : memref<10016x8xf32, #tpu.memory_space<vmem_shared>> -> memref<10016x8xf32, #tpu.memory_space<vmem_shared>>
        tpu.wait_indirect_dma semaphore(%arg16 : memref<!tpu.dma_semaphore, #tpu.memory_space<semaphore_mem>>) src(%dma_wait3A_109 : memref<10016x8xf32, #tpu.memory_space<vmem_shared>>) dst(%arg12 : memref<64x8xf32, #tpu.memory_space<vmem>>)
        "tpu.region"() ({
          %run_scoped3A_117 = tpu.sem_alloc : memref<!tpu.dma_semaphore, #tpu.memory_space<semaphore_mem>>
          %dma_start3A_118 = arith.constant 0 : i32
          %dma_start3A_119 = tpu.memref_slice %arg8[%add3A_103, %dma_start3A_118] : memref<32x64xi32, #tpu.memory_space<vmem>> -> memref<1x64xi32, #tpu.memory_space<vmem>>
          %dma_start3A_120 = tpu.memref_squeeze %dma_start3A_119 : memref<1x64xi32, #tpu.memory_space<vmem>> -> memref<64xi32, #tpu.memory_space<vmem>>
          %dma_start3A_121 = arith.constant 0 : i32
          %dma_start3A_122 = arith.constant 0 : i32
          %dma_start3A_123 = tpu.memref_slice %arg18[%dma_start3A_121, %dma_start3A_122] : memref<10240x8xf32, #tpu.memory_space<vmem_shared>> -> memref<10240x8xf32, #tpu.memory_space<vmem_shared>>
          tpu.enqueue_indirect_dma source(%arg12 : memref<64x8xf32, #tpu.memory_space<vmem>>) target(%dma_start3A_123 : memref<10240x8xf32, #tpu.memory_space<vmem_shared>>) offsets(%dma_start3A_120 : memref<64xi32, #tpu.memory_space<vmem>>) semaphore(%run_scoped3A_117 : memref<!tpu.dma_semaphore, #tpu.memory_space<semaphore_mem>>) {add = true}
          %dma_wait3A_124 = arith.constant 0 : i32
          %dma_wait3A_125 = tpu.memref_slice %arg8[%add3A_103, %dma_wait3A_124] : memref<32x64xi32, #tpu.memory_space<vmem>> -> memref<1x64xi32, #tpu.memory_space<vmem>>
          %dma_wait3A_126 = tpu.memref_squeeze %dma_wait3A_125 : memref<1x64xi32, #tpu.memory_space<vmem>> -> memref<64xi32, #tpu.memory_space<vmem>>
          %dma_wait3A_127 = arith.constant 0 : i32
          %dma_wait3A_128 = arith.constant 0 : i32
          %dma_wait3A_129 = tpu.memref_slice %arg18[%dma_wait3A_127, %dma_wait3A_128] : memref<10240x8xf32, #tpu.memory_space<vmem_shared>> -> memref<10240x8xf32, #tpu.memory_space<vmem_shared>>
          tpu.wait_indirect_dma semaphore(%run_scoped3A_117 : memref<!tpu.dma_semaphore, #tpu.memory_space<semaphore_mem>>) src(%arg12 : memref<64x8xf32, #tpu.memory_space<vmem>>) dst(%dma_wait3A_129 : memref<10240x8xf32, #tpu.memory_space<vmem_shared>>)
          tpu.yield
        }) : () -> ()
        %add3A_110 = arith.constant 4 : i32
        %add3A_111 = arith.addi %add3A_103, %add3A_110 : i32
        %lt3A_112 = arith.constant 32 : i32
        %lt3A_113 = arith.cmpi slt, %add3A_111, %lt3A_112 : i32
        %convert_element_type3A_114 = arith.extui %lt3A_113 : i1 to i32
        %cond3A_115 = arith.constant 0 : i32
        %cond3A_116 = arith.cmpi ne, %convert_element_type3A_114, %cond3A_115 : i32
        scf.if %cond3A_116 {
          %add3A_117 = arith.constant 4 : i32
          %add3A_118 = arith.addi %add3A_103, %add3A_117 : i32
          %dma_start3A_119 = arith.constant 0 : i32
          %dma_start3A_120 = tpu.memref_slice %arg7[%add3A_118, %dma_start3A_119] : memref<32x64xi32, #tpu.memory_space<vmem>> -> memref<1x64xi32, #tpu.memory_space<vmem>>
          %dma_start3A_121 = tpu.memref_squeeze %dma_start3A_120 : memref<1x64xi32, #tpu.memory_space<vmem>> -> memref<64xi32, #tpu.memory_space<vmem>>
          %dma_start3A_122 = arith.constant 0 : i32
          %dma_start3A_123 = arith.constant 0 : i32
          %dma_start3A_124 = tpu.memref_slice %arg17[%dma_start3A_122, %dma_start3A_123] : memref<10016x8xf32, #tpu.memory_space<vmem_shared>> -> memref<10016x8xf32, #tpu.memory_space<vmem_shared>>
          tpu.enqueue_indirect_dma source(%dma_start3A_124 : memref<10016x8xf32, #tpu.memory_space<vmem_shared>>) target(%arg12 : memref<64x8xf32, #tpu.memory_space<vmem>>) offsets(%dma_start3A_121 : memref<64xi32, #tpu.memory_space<vmem>>) semaphore(%arg16 : memref<!tpu.dma_semaphore, #tpu.memory_space<semaphore_mem>>)
        } else {
        }
      }
      %scan3A_51 = arith.constant 8 : i32
    }
    %scan3A_11 = arith.constant 5 : i32
    %barrier3A_12 = arith.constant 0 : index
    tpu.barrier barrier_id(%barrier3A_12)
    "tpu.region"() ({
      %run_scoped3A_13 = tpu.sem_alloc : memref<!tpu.dma_semaphore, #tpu.memory_space<semaphore_mem>>
      %dma_start3A = arith.constant 0 : i32
      %dma_start3A_14 = tpu.memref_slice %arg6[%arg0, %mul3A_0, %dma_start3A] : memref<2x10240x8xf32, #tpu.memory_space<hbm>> -> memref<1x640x8xf32, #tpu.memory_space<hbm>>
      %dma_start3A_15 = tpu.memref_squeeze %dma_start3A_14 : memref<1x640x8xf32, #tpu.memory_space<hbm>> -> memref<640x8xf32, #tpu.memory_space<hbm>>
      %dma_start3A_16 = arith.constant 0 : i32
      %dma_start3A_17 = tpu.memref_slice %arg18[%mul3A_0, %dma_start3A_16] : memref<10240x8xf32, #tpu.memory_space<vmem_shared>> -> memref<640x8xf32, #tpu.memory_space<vmem_shared>>
      tpu.enqueue_dma source(%dma_start3A_17 : memref<640x8xf32, #tpu.memory_space<vmem_shared>>) target(%dma_start3A_15 : memref<640x8xf32, #tpu.memory_space<hbm>>) target_semaphore(%run_scoped3A_13 : memref<!tpu.dma_semaphore, #tpu.memory_space<semaphore_mem>>)
      %dma_wait3A = arith.constant 0 : i32
      %dma_wait3A_18 = tpu.memref_slice %arg6[%arg0, %mul3A_0, %dma_wait3A] : memref<2x10240x8xf32, #tpu.memory_space<hbm>> -> memref<1x640x8xf32, #tpu.memory_space<hbm>>
      %dma_wait3A_19 = tpu.memref_squeeze %dma_wait3A_18 : memref<1x640x8xf32, #tpu.memory_space<hbm>> -> memref<640x8xf32, #tpu.memory_space<hbm>>
      %dma_wait3A_20 = arith.constant 0 : i32
      %dma_wait3A_21 = tpu.memref_slice %arg18[%mul3A_0, %dma_wait3A_20] : memref<10240x8xf32, #tpu.memory_space<vmem_shared>> -> memref<640x8xf32, #tpu.memory_space<vmem_shared>>
      tpu.wait_dma2 semaphore(%run_scoped3A_13 : memref<!tpu.dma_semaphore, #tpu.memory_space<semaphore_mem>>) src(%dma_wait3A_21 : memref<640x8xf32, #tpu.memory_space<vmem_shared>>) dst(%dma_wait3A_19 : memref<640x8xf32, #tpu.memory_space<hbm>>)
      tpu.yield
    }) : () -> ()
    return
  }
}

#map = affine_map<(d0, d1) -> (0, 0, 0)>
#map1 = affine_map<(d0, d1) -> (0, 0)>
module attributes {stable_mosaic.version = 14 : i64} {
  func.func @_sc_scatter_add(%arg0: i32, %arg1: i32, %arg2: memref<2x10016x64xf32, #tpu.memory_space<hbm>>, %arg3: memref<5120x64xi32, #tpu.memory_space<hbm>>, %arg4: memref<5120x64xi32, #tpu.memory_space<hbm>>, %arg5: memref<10240x64xf32, #tpu.memory_space<hbm>>, %arg6: memref<2x10240x128xf32, #tpu.memory_space<hbm>>, %arg7: memref<32x64xi32, #tpu.memory_space<vmem>>, %arg8: memref<32x64xi32, #tpu.memory_space<vmem>>, %arg9: memref<64x64xf32, #tpu.memory_space<vmem>>, %arg10: memref<64x64xf32, #tpu.memory_space<vmem>>, %arg11: memref<64x64xf32, #tpu.memory_space<vmem>>, %arg12: memref<64x64xf32, #tpu.memory_space<vmem>>, %arg13: memref<!tpu.dma_semaphore, #tpu.memory_space<semaphore_mem>>, %arg14: memref<!tpu.dma_semaphore, #tpu.memory_space<semaphore_mem>>, %arg15: memref<!tpu.dma_semaphore, #tpu.memory_space<semaphore_mem>>, %arg16: memref<!tpu.dma_semaphore, #tpu.memory_space<semaphore_mem>>, %arg17: memref<10016x64xf32, #tpu.memory_space<vmem_shared>>, %arg18: memref<10240x64xf32, #tpu.memory_space<vmem_shared>>) attributes {dimension_semantics = [#tpu.dimension_semantics<core_parallel>, #tpu.dimension_semantics<subcore_parallel>], iteration_bounds = array<i64: 2, 16>, scalar_prefetch = 0 : i64, scratch_operands = 12 : i64, tpu.core_type = #tpu.core_type<sc_vector_subcore>, window_params = [{transform_indices = #map}, {transform_indices = #map1}, {transform_indices = #map1}, {transform_indices = #map1}, {transform_indices = #map}]} {
    %mul3A = arith.constant 640 : i32
    %mul3A_0 = arith.muli %arg1, %mul3A : i32
    %mul3A_1 = arith.constant 2 : i32
    %mul3A_2 = arith.muli %arg1, %mul3A_1 : i32
    %add3A = arith.addi %mul3A_2, %arg0 : i32
    %mul3A_3 = arith.constant 626 : i32
    %mul3A_4 = arith.muli %arg1, %mul3A_3 : i32
    %mul3A_5 = arith.constant 626 : i32
    %mul3A_6 = arith.muli %arg1, %mul3A_5 : i32
    %run_scoped3A = arith.constant 0 : i32
    "tpu.region"() ({
      %run_scoped3A_26 = tpu.sem_alloc : memref<!tpu.dma_semaphore, #tpu.memory_space<semaphore_mem>>
      %dma_start3A = arith.constant 0 : i32
      %dma_start3A_27 = tpu.memref_slice %arg17[%mul3A_6, %dma_start3A] : memref<10016x64xf32, #tpu.memory_space<vmem_shared>> -> memref<626x64xf32, #tpu.memory_space<vmem_shared>>
      %dma_start3A_28 = arith.constant 0 : i32
      %dma_start3A_29 = tpu.memref_slice %arg2[%run_scoped3A, %mul3A_4, %dma_start3A_28] : memref<2x10016x64xf32, #tpu.memory_space<hbm>> -> memref<1x626x64xf32, #tpu.memory_space<hbm>>
      %dma_start3A_30 = tpu.memref_squeeze %dma_start3A_29 : memref<1x626x64xf32, #tpu.memory_space<hbm>> -> memref<626x64xf32, #tpu.memory_space<hbm>>
      tpu.enqueue_dma source(%dma_start3A_30 : memref<626x64xf32, #tpu.memory_space<hbm>>) target(%dma_start3A_27 : memref<626x64xf32, #tpu.memory_space<vmem_shared>>) target_semaphore(%run_scoped3A_26 : memref<!tpu.dma_semaphore, #tpu.memory_space<semaphore_mem>>)
      %dma_wait3A = arith.constant 0 : i32
      %dma_wait3A_31 = tpu.memref_slice %arg17[%mul3A_6, %dma_wait3A] : memref<10016x64xf32, #tpu.memory_space<vmem_shared>> -> memref<626x64xf32, #tpu.memory_space<vmem_shared>>
      %dma_wait3A_32 = arith.constant 0 : i32
      %dma_wait3A_33 = tpu.memref_slice %arg2[%run_scoped3A, %mul3A_4, %dma_wait3A_32] : memref<2x10016x64xf32, #tpu.memory_space<hbm>> -> memref<1x626x64xf32, #tpu.memory_space<hbm>>
      %dma_wait3A_34 = tpu.memref_squeeze %dma_wait3A_33 : memref<1x626x64xf32, #tpu.memory_space<hbm>> -> memref<626x64xf32, #tpu.memory_space<hbm>>
      tpu.wait_dma2 semaphore(%run_scoped3A_26 : memref<!tpu.dma_semaphore, #tpu.memory_space<semaphore_mem>>) src(%dma_wait3A_34 : memref<626x64xf32, #tpu.memory_space<hbm>>) dst(%dma_wait3A_31 : memref<626x64xf32, #tpu.memory_space<vmem_shared>>)
      tpu.yield
    }) : () -> ()
    "tpu.region"() ({
      %run_scoped3A_26 = tpu.sem_alloc : memref<!tpu.dma_semaphore, #tpu.memory_space<semaphore_mem>>
      %dma_start3A = arith.constant 0 : i32
      %dma_start3A_27 = tpu.memref_slice %arg18[%mul3A_0, %dma_start3A] : memref<10240x64xf32, #tpu.memory_space<vmem_shared>> -> memref<640x64xf32, #tpu.memory_space<vmem_shared>>
      %dma_start3A_28 = arith.constant 0 : i32
      %dma_start3A_29 = tpu.memref_slice %arg5[%mul3A_0, %dma_start3A_28] : memref<10240x64xf32, #tpu.memory_space<hbm>> -> memref<640x64xf32, #tpu.memory_space<hbm>>
      tpu.enqueue_dma source(%dma_start3A_29 : memref<640x64xf32, #tpu.memory_space<hbm>>) target(%dma_start3A_27 : memref<640x64xf32, #tpu.memory_space<vmem_shared>>) target_semaphore(%run_scoped3A_26 : memref<!tpu.dma_semaphore, #tpu.memory_space<semaphore_mem>>)
      %dma_wait3A = arith.constant 0 : i32
      %dma_wait3A_30 = tpu.memref_slice %arg18[%mul3A_0, %dma_wait3A] : memref<10240x64xf32, #tpu.memory_space<vmem_shared>> -> memref<640x64xf32, #tpu.memory_space<vmem_shared>>
      %dma_wait3A_31 = arith.constant 0 : i32
      %dma_wait3A_32 = tpu.memref_slice %arg5[%mul3A_0, %dma_wait3A_31] : memref<10240x64xf32, #tpu.memory_space<hbm>> -> memref<640x64xf32, #tpu.memory_space<hbm>>
      tpu.wait_dma2 semaphore(%run_scoped3A_26 : memref<!tpu.dma_semaphore, #tpu.memory_space<semaphore_mem>>) src(%dma_wait3A_32 : memref<640x64xf32, #tpu.memory_space<hbm>>) dst(%dma_wait3A_30 : memref<640x64xf32, #tpu.memory_space<vmem_shared>>)
      tpu.yield
    }) : () -> ()
    %barrier3A = arith.constant 0 : index
    tpu.barrier barrier_id(%barrier3A)
    %scan3A = arith.constant 0 : i32
    %scan3A_7 = arith.constant 0 : i32
    %scan3A_8 = arith.constant 5 : i32
    %scan3A_9 = arith.addi %scan3A_7, %scan3A_8 : i32
    %scan3A_10 = arith.constant 1 : i32
    scf.for %scan3A_26 = %scan3A_7 to %scan3A_9 step %scan3A_10  : i32 {
      %mul3A_27 = arith.constant 160 : i32
      %mul3A_28 = arith.muli %add3A, %mul3A_27 : i32
      %mul3A_29 = arith.constant 32 : i32
      %mul3A_30 = arith.muli %scan3A_26, %mul3A_29 : i32
      %add3A_31 = arith.addi %mul3A_28, %mul3A_30 : i32
      "tpu.region"() ({
        %run_scoped3A_65 = tpu.sem_alloc : memref<!tpu.dma_semaphore, #tpu.memory_space<semaphore_mem>>
        %dma_start3A_66 = arith.constant 0 : i32
        %dma_start3A_67 = tpu.memref_slice %arg3[%add3A_31, %dma_start3A_66] : memref<5120x64xi32, #tpu.memory_space<hbm>> -> memref<32x64xi32, #tpu.memory_space<hbm>>
        %dma_start3A_68 = arith.constant 0 : i32
        %dma_start3A_69 = tpu.memref_slice %arg3[%add3A_31, %dma_start3A_68] : memref<5120x64xi32, #tpu.memory_space<hbm>> -> memref<32x64xi32, #tpu.memory_space<hbm>>
        tpu.enqueue_dma source(%dma_start3A_69 : memref<32x64xi32, #tpu.memory_space<hbm>>) target(%arg7 : memref<32x64xi32, #tpu.memory_space<vmem>>) target_semaphore(%run_scoped3A_65 : memref<!tpu.dma_semaphore, #tpu.memory_space<semaphore_mem>>)
        %dma_wait3A = arith.constant 0 : i32
        %dma_wait3A_70 = tpu.memref_slice %arg3[%add3A_31, %dma_wait3A] : memref<5120x64xi32, #tpu.memory_space<hbm>> -> memref<32x64xi32, #tpu.memory_space<hbm>>
        %dma_wait3A_71 = arith.constant 0 : i32
        %dma_wait3A_72 = tpu.memref_slice %arg3[%add3A_31, %dma_wait3A_71] : memref<5120x64xi32, #tpu.memory_space<hbm>> -> memref<32x64xi32, #tpu.memory_space<hbm>>
        tpu.wait_dma2 semaphore(%run_scoped3A_65 : memref<!tpu.dma_semaphore, #tpu.memory_space<semaphore_mem>>) src(%dma_wait3A_72 : memref<32x64xi32, #tpu.memory_space<hbm>>) dst(%arg7 : memref<32x64xi32, #tpu.memory_space<vmem>>)
        tpu.yield
      }) : () -> ()
      "tpu.region"() ({
        %run_scoped3A_65 = tpu.sem_alloc : memref<!tpu.dma_semaphore, #tpu.memory_space<semaphore_mem>>
        %dma_start3A_66 = arith.constant 0 : i32
        %dma_start3A_67 = tpu.memref_slice %arg4[%add3A_31, %dma_start3A_66] : memref<5120x64xi32, #tpu.memory_space<hbm>> -> memref<32x64xi32, #tpu.memory_space<hbm>>
        %dma_start3A_68 = arith.constant 0 : i32
        %dma_start3A_69 = tpu.memref_slice %arg4[%add3A_31, %dma_start3A_68] : memref<5120x64xi32, #tpu.memory_space<hbm>> -> memref<32x64xi32, #tpu.memory_space<hbm>>
        tpu.enqueue_dma source(%dma_start3A_69 : memref<32x64xi32, #tpu.memory_space<hbm>>) target(%arg8 : memref<32x64xi32, #tpu.memory_space<vmem>>) target_semaphore(%run_scoped3A_65 : memref<!tpu.dma_semaphore, #tpu.memory_space<semaphore_mem>>)
        %dma_wait3A = arith.constant 0 : i32
        %dma_wait3A_70 = tpu.memref_slice %arg4[%add3A_31, %dma_wait3A] : memref<5120x64xi32, #tpu.memory_space<hbm>> -> memref<32x64xi32, #tpu.memory_space<hbm>>
        %dma_wait3A_71 = arith.constant 0 : i32
        %dma_wait3A_72 = tpu.memref_slice %arg4[%add3A_31, %dma_wait3A_71] : memref<5120x64xi32, #tpu.memory_space<hbm>> -> memref<32x64xi32, #tpu.memory_space<hbm>>
        tpu.wait_dma2 semaphore(%run_scoped3A_65 : memref<!tpu.dma_semaphore, #tpu.memory_space<semaphore_mem>>) src(%dma_wait3A_72 : memref<32x64xi32, #tpu.memory_space<hbm>>) dst(%arg8 : memref<32x64xi32, #tpu.memory_space<vmem>>)
        tpu.yield
      }) : () -> ()
      %dma_start3A = arith.constant 0 : i32
      %dma_start3A_32 = arith.constant 0 : i32
      %dma_start3A_33 = tpu.memref_slice %arg7[%dma_start3A, %dma_start3A_32] : memref<32x64xi32, #tpu.memory_space<vmem>> -> memref<1x64xi32, #tpu.memory_space<vmem>>
      %dma_start3A_34 = tpu.memref_squeeze %dma_start3A_33 : memref<1x64xi32, #tpu.memory_space<vmem>> -> memref<64xi32, #tpu.memory_space<vmem>>
      %dma_start3A_35 = arith.constant 0 : i32
      %dma_start3A_36 = arith.constant 0 : i32
      %dma_start3A_37 = tpu.memref_slice %arg17[%dma_start3A_35, %dma_start3A_36] : memref<10016x64xf32, #tpu.memory_space<vmem_shared>> -> memref<10016x64xf32, #tpu.memory_space<vmem_shared>>
      tpu.enqueue_indirect_dma source(%dma_start3A_37 : memref<10016x64xf32, #tpu.memory_space<vmem_shared>>) target(%arg9 : memref<64x64xf32, #tpu.memory_space<vmem>>) offsets(%dma_start3A_34 : memref<64xi32, #tpu.memory_space<vmem>>) semaphore(%arg13 : memref<!tpu.dma_semaphore, #tpu.memory_space<semaphore_mem>>)
      %dma_start3A_38 = arith.constant 1 : i32
      %dma_start3A_39 = arith.constant 0 : i32
      %dma_start3A_40 = tpu.memref_slice %arg7[%dma_start3A_38, %dma_start3A_39] : memref<32x64xi32, #tpu.memory_space<vmem>> -> memref<1x64xi32, #tpu.memory_space<vmem>>
      %dma_start3A_41 = tpu.memref_squeeze %dma_start3A_40 : memref<1x64xi32, #tpu.memory_space<vmem>> -> memref<64xi32, #tpu.memory_space<vmem>>
      %dma_start3A_42 = arith.constant 0 : i32
      %dma_start3A_43 = arith.constant 0 : i32
      %dma_start3A_44 = tpu.memref_slice %arg17[%dma_start3A_42, %dma_start3A_43] : memref<10016x64xf32, #tpu.memory_space<vmem_shared>> -> memref<10016x64xf32, #tpu.memory_space<vmem_shared>>
      tpu.enqueue_indirect_dma source(%dma_start3A_44 : memref<10016x64xf32, #tpu.memory_space<vmem_shared>>) target(%arg10 : memref<64x64xf32, #tpu.memory_space<vmem>>) offsets(%dma_start3A_41 : memref<64xi32, #tpu.memory_space<vmem>>) semaphore(%arg14 : memref<!tpu.dma_semaphore, #tpu.memory_space<semaphore_mem>>)
      %dma_start3A_45 = arith.constant 2 : i32
      %dma_start3A_46 = arith.constant 0 : i32
      %dma_start3A_47 = tpu.memref_slice %arg7[%dma_start3A_45, %dma_start3A_46] : memref<32x64xi32, #tpu.memory_space<vmem>> -> memref<1x64xi32, #tpu.memory_space<vmem>>
      %dma_start3A_48 = tpu.memref_squeeze %dma_start3A_47 : memref<1x64xi32, #tpu.memory_space<vmem>> -> memref<64xi32, #tpu.memory_space<vmem>>
      %dma_start3A_49 = arith.constant 0 : i32
      %dma_start3A_50 = arith.constant 0 : i32
      %dma_start3A_51 = tpu.memref_slice %arg17[%dma_start3A_49, %dma_start3A_50] : memref<10016x64xf32, #tpu.memory_space<vmem_shared>> -> memref<10016x64xf32, #tpu.memory_space<vmem_shared>>
      tpu.enqueue_indirect_dma source(%dma_start3A_51 : memref<10016x64xf32, #tpu.memory_space<vmem_shared>>) target(%arg11 : memref<64x64xf32, #tpu.memory_space<vmem>>) offsets(%dma_start3A_48 : memref<64xi32, #tpu.memory_space<vmem>>) semaphore(%arg15 : memref<!tpu.dma_semaphore, #tpu.memory_space<semaphore_mem>>)
      %dma_start3A_52 = arith.constant 3 : i32
      %dma_start3A_53 = arith.constant 0 : i32
      %dma_start3A_54 = tpu.memref_slice %arg7[%dma_start3A_52, %dma_start3A_53] : memref<32x64xi32, #tpu.memory_space<vmem>> -> memref<1x64xi32, #tpu.memory_space<vmem>>
      %dma_start3A_55 = tpu.memref_squeeze %dma_start3A_54 : memref<1x64xi32, #tpu.memory_space<vmem>> -> memref<64xi32, #tpu.memory_space<vmem>>
      %dma_start3A_56 = arith.constant 0 : i32
      %dma_start3A_57 = arith.constant 0 : i32
      %dma_start3A_58 = tpu.memref_slice %arg17[%dma_start3A_56, %dma_start3A_57] : memref<10016x64xf32, #tpu.memory_space<vmem_shared>> -> memref<10016x64xf32, #tpu.memory_space<vmem_shared>>
      tpu.enqueue_indirect_dma source(%dma_start3A_58 : memref<10016x64xf32, #tpu.memory_space<vmem_shared>>) target(%arg12 : memref<64x64xf32, #tpu.memory_space<vmem>>) offsets(%dma_start3A_55 : memref<64xi32, #tpu.memory_space<vmem>>) semaphore(%arg16 : memref<!tpu.dma_semaphore, #tpu.memory_space<semaphore_mem>>)
      %scan3A_59 = arith.constant 0 : i32
      %scan3A_60 = arith.constant 0 : i32
      %scan3A_61 = arith.constant 8 : i32
      %scan3A_62 = arith.addi %scan3A_60, %scan3A_61 : i32
      %scan3A_63 = arith.constant 1 : i32
      scf.for %scan3A_65 = %scan3A_60 to %scan3A_62 step %scan3A_63  : i32 {
        %mul3A_66 = arith.constant 4 : i32
        %mul3A_67 = arith.muli %scan3A_65, %mul3A_66 : i32
        %add3A_68 = arith.constant 0 : i32
        %add3A_69 = arith.addi %mul3A_67, %add3A_68 : i32
        %dma_wait3A = arith.constant 0 : i32
        %dma_wait3A_70 = tpu.memref_slice %arg7[%add3A_69, %dma_wait3A] : memref<32x64xi32, #tpu.memory_space<vmem>> -> memref<1x64xi32, #tpu.memory_space<vmem>>
        %dma_wait3A_71 = tpu.memref_squeeze %dma_wait3A_70 : memref<1x64xi32, #tpu.memory_space<vmem>> -> memref<64xi32, #tpu.memory_space<vmem>>
        %dma_wait3A_72 = arith.constant 0 : i32
        %dma_wait3A_73 = arith.constant 0 : i32
        %dma_wait3A_74 = tpu.memref_slice %arg17[%dma_wait3A_72, %dma_wait3A_73] : memref<10016x64xf32, #tpu.memory_space<vmem_shared>> -> memref<10016x64xf32, #tpu.memory_space<vmem_shared>>
        tpu.wait_indirect_dma semaphore(%arg13 : memref<!tpu.dma_semaphore, #tpu.memory_space<semaphore_mem>>) src(%dma_wait3A_74 : memref<10016x64xf32, #tpu.memory_space<vmem_shared>>) dst(%arg9 : memref<64x64xf32, #tpu.memory_space<vmem>>)
        "tpu.region"() ({
          %run_scoped3A_130 = tpu.sem_alloc : memref<!tpu.dma_semaphore, #tpu.memory_space<semaphore_mem>>
          %dma_start3A_131 = arith.constant 0 : i32
          %dma_start3A_132 = tpu.memref_slice %arg8[%add3A_69, %dma_start3A_131] : memref<32x64xi32, #tpu.memory_space<vmem>> -> memref<1x64xi32, #tpu.memory_space<vmem>>
          %dma_start3A_133 = tpu.memref_squeeze %dma_start3A_132 : memref<1x64xi32, #tpu.memory_space<vmem>> -> memref<64xi32, #tpu.memory_space<vmem>>
          %dma_start3A_134 = arith.constant 0 : i32
          %dma_start3A_135 = arith.constant 0 : i32
          %dma_start3A_136 = tpu.memref_slice %arg18[%dma_start3A_134, %dma_start3A_135] : memref<10240x64xf32, #tpu.memory_space<vmem_shared>> -> memref<10240x64xf32, #tpu.memory_space<vmem_shared>>
          tpu.enqueue_indirect_dma source(%arg9 : memref<64x64xf32, #tpu.memory_space<vmem>>) target(%dma_start3A_136 : memref<10240x64xf32, #tpu.memory_space<vmem_shared>>) offsets(%dma_start3A_133 : memref<64xi32, #tpu.memory_space<vmem>>) semaphore(%run_scoped3A_130 : memref<!tpu.dma_semaphore, #tpu.memory_space<semaphore_mem>>) {add = true}
          %dma_wait3A_137 = arith.constant 0 : i32
          %dma_wait3A_138 = tpu.memref_slice %arg8[%add3A_69, %dma_wait3A_137] : memref<32x64xi32, #tpu.memory_space<vmem>> -> memref<1x64xi32, #tpu.memory_space<vmem>>
          %dma_wait3A_139 = tpu.memref_squeeze %dma_wait3A_138 : memref<1x64xi32, #tpu.memory_space<vmem>> -> memref<64xi32, #tpu.memory_space<vmem>>
          %dma_wait3A_140 = arith.constant 0 : i32
          %dma_wait3A_141 = arith.constant 0 : i32
          %dma_wait3A_142 = tpu.memref_slice %arg18[%dma_wait3A_140, %dma_wait3A_141] : memref<10240x64xf32, #tpu.memory_space<vmem_shared>> -> memref<10240x64xf32, #tpu.memory_space<vmem_shared>>
          tpu.wait_indirect_dma semaphore(%run_scoped3A_130 : memref<!tpu.dma_semaphore, #tpu.memory_space<semaphore_mem>>) src(%arg9 : memref<64x64xf32, #tpu.memory_space<vmem>>) dst(%dma_wait3A_142 : memref<10240x64xf32, #tpu.memory_space<vmem_shared>>)
          tpu.yield
        }) : () -> ()
        %add3A_75 = arith.constant 4 : i32
        %add3A_76 = arith.addi %add3A_69, %add3A_75 : i32
        %lt3A = arith.constant 32 : i32
        %lt3A_77 = arith.cmpi slt, %add3A_76, %lt3A : i32
        %convert_element_type3A = arith.extui %lt3A_77 : i1 to i32
        %cond3A = arith.constant 0 : i32
        %cond3A_78 = arith.cmpi ne, %convert_element_type3A, %cond3A : i32
        scf.if %cond3A_78 {
          %add3A_130 = arith.constant 4 : i32
          %add3A_131 = arith.addi %add3A_69, %add3A_130 : i32
          %dma_start3A_132 = arith.constant 0 : i32
          %dma_start3A_133 = tpu.memref_slice %arg7[%add3A_131, %dma_start3A_132] : memref<32x64xi32, #tpu.memory_space<vmem>> -> memref<1x64xi32, #tpu.memory_space<vmem>>
          %dma_start3A_134 = tpu.memref_squeeze %dma_start3A_133 : memref<1x64xi32, #tpu.memory_space<vmem>> -> memref<64xi32, #tpu.memory_space<vmem>>
          %dma_start3A_135 = arith.constant 0 : i32
          %dma_start3A_136 = arith.constant 0 : i32
          %dma_start3A_137 = tpu.memref_slice %arg17[%dma_start3A_135, %dma_start3A_136] : memref<10016x64xf32, #tpu.memory_space<vmem_shared>> -> memref<10016x64xf32, #tpu.memory_space<vmem_shared>>
          tpu.enqueue_indirect_dma source(%dma_start3A_137 : memref<10016x64xf32, #tpu.memory_space<vmem_shared>>) target(%arg9 : memref<64x64xf32, #tpu.memory_space<vmem>>) offsets(%dma_start3A_134 : memref<64xi32, #tpu.memory_space<vmem>>) semaphore(%arg13 : memref<!tpu.dma_semaphore, #tpu.memory_space<semaphore_mem>>)
        } else {
        }
        %mul3A_79 = arith.constant 4 : i32
        %mul3A_80 = arith.muli %scan3A_65, %mul3A_79 : i32
        %add3A_81 = arith.constant 1 : i32
        %add3A_82 = arith.addi %mul3A_80, %add3A_81 : i32
        %dma_wait3A_83 = arith.constant 0 : i32
        %dma_wait3A_84 = tpu.memref_slice %arg7[%add3A_82, %dma_wait3A_83] : memref<32x64xi32, #tpu.memory_space<vmem>> -> memref<1x64xi32, #tpu.memory_space<vmem>>
        %dma_wait3A_85 = tpu.memref_squeeze %dma_wait3A_84 : memref<1x64xi32, #tpu.memory_space<vmem>> -> memref<64xi32, #tpu.memory_space<vmem>>
        %dma_wait3A_86 = arith.constant 0 : i32
        %dma_wait3A_87 = arith.constant 0 : i32
        %dma_wait3A_88 = tpu.memref_slice %arg17[%dma_wait3A_86, %dma_wait3A_87] : memref<10016x64xf32, #tpu.memory_space<vmem_shared>> -> memref<10016x64xf32, #tpu.memory_space<vmem_shared>>
        tpu.wait_indirect_dma semaphore(%arg14 : memref<!tpu.dma_semaphore, #tpu.memory_space<semaphore_mem>>) src(%dma_wait3A_88 : memref<10016x64xf32, #tpu.memory_space<vmem_shared>>) dst(%arg10 : memref<64x64xf32, #tpu.memory_space<vmem>>)
        "tpu.region"() ({
          %run_scoped3A_130 = tpu.sem_alloc : memref<!tpu.dma_semaphore, #tpu.memory_space<semaphore_mem>>
          %dma_start3A_131 = arith.constant 0 : i32
          %dma_start3A_132 = tpu.memref_slice %arg8[%add3A_82, %dma_start3A_131] : memref<32x64xi32, #tpu.memory_space<vmem>> -> memref<1x64xi32, #tpu.memory_space<vmem>>
          %dma_start3A_133 = tpu.memref_squeeze %dma_start3A_132 : memref<1x64xi32, #tpu.memory_space<vmem>> -> memref<64xi32, #tpu.memory_space<vmem>>
          %dma_start3A_134 = arith.constant 0 : i32
          %dma_start3A_135 = arith.constant 0 : i32
          %dma_start3A_136 = tpu.memref_slice %arg18[%dma_start3A_134, %dma_start3A_135] : memref<10240x64xf32, #tpu.memory_space<vmem_shared>> -> memref<10240x64xf32, #tpu.memory_space<vmem_shared>>
          tpu.enqueue_indirect_dma source(%arg10 : memref<64x64xf32, #tpu.memory_space<vmem>>) target(%dma_start3A_136 : memref<10240x64xf32, #tpu.memory_space<vmem_shared>>) offsets(%dma_start3A_133 : memref<64xi32, #tpu.memory_space<vmem>>) semaphore(%run_scoped3A_130 : memref<!tpu.dma_semaphore, #tpu.memory_space<semaphore_mem>>) {add = true}
          %dma_wait3A_137 = arith.constant 0 : i32
          %dma_wait3A_138 = tpu.memref_slice %arg8[%add3A_82, %dma_wait3A_137] : memref<32x64xi32, #tpu.memory_space<vmem>> -> memref<1x64xi32, #tpu.memory_space<vmem>>
          %dma_wait3A_139 = tpu.memref_squeeze %dma_wait3A_138 : memref<1x64xi32, #tpu.memory_space<vmem>> -> memref<64xi32, #tpu.memory_space<vmem>>
          %dma_wait3A_140 = arith.constant 0 : i32
          %dma_wait3A_141 = arith.constant 0 : i32
          %dma_wait3A_142 = tpu.memref_slice %arg18[%dma_wait3A_140, %dma_wait3A_141] : memref<10240x64xf32, #tpu.memory_space<vmem_shared>> -> memref<10240x64xf32, #tpu.memory_space<vmem_shared>>
          tpu.wait_indirect_dma semaphore(%run_scoped3A_130 : memref<!tpu.dma_semaphore, #tpu.memory_space<semaphore_mem>>) src(%arg10 : memref<64x64xf32, #tpu.memory_space<vmem>>) dst(%dma_wait3A_142 : memref<10240x64xf32, #tpu.memory_space<vmem_shared>>)
          tpu.yield
        }) : () -> ()
        %add3A_89 = arith.constant 4 : i32
        %add3A_90 = arith.addi %add3A_82, %add3A_89 : i32
        %lt3A_91 = arith.constant 32 : i32
        %lt3A_92 = arith.cmpi slt, %add3A_90, %lt3A_91 : i32
        %convert_element_type3A_93 = arith.extui %lt3A_92 : i1 to i32
        %cond3A_94 = arith.constant 0 : i32
        %cond3A_95 = arith.cmpi ne, %convert_element_type3A_93, %cond3A_94 : i32
        scf.if %cond3A_95 {
          %add3A_130 = arith.constant 4 : i32
          %add3A_131 = arith.addi %add3A_82, %add3A_130 : i32
          %dma_start3A_132 = arith.constant 0 : i32
          %dma_start3A_133 = tpu.memref_slice %arg7[%add3A_131, %dma_start3A_132] : memref<32x64xi32, #tpu.memory_space<vmem>> -> memref<1x64xi32, #tpu.memory_space<vmem>>
          %dma_start3A_134 = tpu.memref_squeeze %dma_start3A_133 : memref<1x64xi32, #tpu.memory_space<vmem>> -> memref<64xi32, #tpu.memory_space<vmem>>
          %dma_start3A_135 = arith.constant 0 : i32
          %dma_start3A_136 = arith.constant 0 : i32
          %dma_start3A_137 = tpu.memref_slice %arg17[%dma_start3A_135, %dma_start3A_136] : memref<10016x64xf32, #tpu.memory_space<vmem_shared>> -> memref<10016x64xf32, #tpu.memory_space<vmem_shared>>
          tpu.enqueue_indirect_dma source(%dma_start3A_137 : memref<10016x64xf32, #tpu.memory_space<vmem_shared>>) target(%arg10 : memref<64x64xf32, #tpu.memory_space<vmem>>) offsets(%dma_start3A_134 : memref<64xi32, #tpu.memory_space<vmem>>) semaphore(%arg14 : memref<!tpu.dma_semaphore, #tpu.memory_space<semaphore_mem>>)
        } else {
        }
        %mul3A_96 = arith.constant 4 : i32
        %mul3A_97 = arith.muli %scan3A_65, %mul3A_96 : i32
        %add3A_98 = arith.constant 2 : i32
        %add3A_99 = arith.addi %mul3A_97, %add3A_98 : i32
        %dma_wait3A_100 = arith.constant 0 : i32
        %dma_wait3A_101 = tpu.memref_slice %arg7[%add3A_99, %dma_wait3A_100] : memref<32x64xi32, #tpu.memory_space<vmem>> -> memref<1x64xi32, #tpu.memory_space<vmem>>
        %dma_wait3A_102 = tpu.memref_squeeze %dma_wait3A_101 : memref<1x64xi32, #tpu.memory_space<vmem>> -> memref<64xi32, #tpu.memory_space<vmem>>
        %dma_wait3A_103 = arith.constant 0 : i32
        %dma_wait3A_104 = arith.constant 0 : i32
        %dma_wait3A_105 = tpu.memref_slice %arg17[%dma_wait3A_103, %dma_wait3A_104] : memref<10016x64xf32, #tpu.memory_space<vmem_shared>> -> memref<10016x64xf32, #tpu.memory_space<vmem_shared>>
        tpu.wait_indirect_dma semaphore(%arg15 : memref<!tpu.dma_semaphore, #tpu.memory_space<semaphore_mem>>) src(%dma_wait3A_105 : memref<10016x64xf32, #tpu.memory_space<vmem_shared>>) dst(%arg11 : memref<64x64xf32, #tpu.memory_space<vmem>>)
        "tpu.region"() ({
          %run_scoped3A_130 = tpu.sem_alloc : memref<!tpu.dma_semaphore, #tpu.memory_space<semaphore_mem>>
          %dma_start3A_131 = arith.constant 0 : i32
          %dma_start3A_132 = tpu.memref_slice %arg8[%add3A_99, %dma_start3A_131] : memref<32x64xi32, #tpu.memory_space<vmem>> -> memref<1x64xi32, #tpu.memory_space<vmem>>
          %dma_start3A_133 = tpu.memref_squeeze %dma_start3A_132 : memref<1x64xi32, #tpu.memory_space<vmem>> -> memref<64xi32, #tpu.memory_space<vmem>>
          %dma_start3A_134 = arith.constant 0 : i32
          %dma_start3A_135 = arith.constant 0 : i32
          %dma_start3A_136 = tpu.memref_slice %arg18[%dma_start3A_134, %dma_start3A_135] : memref<10240x64xf32, #tpu.memory_space<vmem_shared>> -> memref<10240x64xf32, #tpu.memory_space<vmem_shared>>
          tpu.enqueue_indirect_dma source(%arg11 : memref<64x64xf32, #tpu.memory_space<vmem>>) target(%dma_start3A_136 : memref<10240x64xf32, #tpu.memory_space<vmem_shared>>) offsets(%dma_start3A_133 : memref<64xi32, #tpu.memory_space<vmem>>) semaphore(%run_scoped3A_130 : memref<!tpu.dma_semaphore, #tpu.memory_space<semaphore_mem>>) {add = true}
          %dma_wait3A_137 = arith.constant 0 : i32
          %dma_wait3A_138 = tpu.memref_slice %arg8[%add3A_99, %dma_wait3A_137] : memref<32x64xi32, #tpu.memory_space<vmem>> -> memref<1x64xi32, #tpu.memory_space<vmem>>
          %dma_wait3A_139 = tpu.memref_squeeze %dma_wait3A_138 : memref<1x64xi32, #tpu.memory_space<vmem>> -> memref<64xi32, #tpu.memory_space<vmem>>
          %dma_wait3A_140 = arith.constant 0 : i32
          %dma_wait3A_141 = arith.constant 0 : i32
          %dma_wait3A_142 = tpu.memref_slice %arg18[%dma_wait3A_140, %dma_wait3A_141] : memref<10240x64xf32, #tpu.memory_space<vmem_shared>> -> memref<10240x64xf32, #tpu.memory_space<vmem_shared>>
          tpu.wait_indirect_dma semaphore(%run_scoped3A_130 : memref<!tpu.dma_semaphore, #tpu.memory_space<semaphore_mem>>) src(%arg11 : memref<64x64xf32, #tpu.memory_space<vmem>>) dst(%dma_wait3A_142 : memref<10240x64xf32, #tpu.memory_space<vmem_shared>>)
          tpu.yield
        }) : () -> ()
        %add3A_106 = arith.constant 4 : i32
        %add3A_107 = arith.addi %add3A_99, %add3A_106 : i32
        %lt3A_108 = arith.constant 32 : i32
        %lt3A_109 = arith.cmpi slt, %add3A_107, %lt3A_108 : i32
        %convert_element_type3A_110 = arith.extui %lt3A_109 : i1 to i32
        %cond3A_111 = arith.constant 0 : i32
        %cond3A_112 = arith.cmpi ne, %convert_element_type3A_110, %cond3A_111 : i32
        scf.if %cond3A_112 {
          %add3A_130 = arith.constant 4 : i32
          %add3A_131 = arith.addi %add3A_99, %add3A_130 : i32
          %dma_start3A_132 = arith.constant 0 : i32
          %dma_start3A_133 = tpu.memref_slice %arg7[%add3A_131, %dma_start3A_132] : memref<32x64xi32, #tpu.memory_space<vmem>> -> memref<1x64xi32, #tpu.memory_space<vmem>>
          %dma_start3A_134 = tpu.memref_squeeze %dma_start3A_133 : memref<1x64xi32, #tpu.memory_space<vmem>> -> memref<64xi32, #tpu.memory_space<vmem>>
          %dma_start3A_135 = arith.constant 0 : i32
          %dma_start3A_136 = arith.constant 0 : i32
          %dma_start3A_137 = tpu.memref_slice %arg17[%dma_start3A_135, %dma_start3A_136] : memref<10016x64xf32, #tpu.memory_space<vmem_shared>> -> memref<10016x64xf32, #tpu.memory_space<vmem_shared>>
          tpu.enqueue_indirect_dma source(%dma_start3A_137 : memref<10016x64xf32, #tpu.memory_space<vmem_shared>>) target(%arg11 : memref<64x64xf32, #tpu.memory_space<vmem>>) offsets(%dma_start3A_134 : memref<64xi32, #tpu.memory_space<vmem>>) semaphore(%arg15 : memref<!tpu.dma_semaphore, #tpu.memory_space<semaphore_mem>>)
        } else {
        }
        %mul3A_113 = arith.constant 4 : i32
        %mul3A_114 = arith.muli %scan3A_65, %mul3A_113 : i32
        %add3A_115 = arith.constant 3 : i32
        %add3A_116 = arith.addi %mul3A_114, %add3A_115 : i32
        %dma_wait3A_117 = arith.constant 0 : i32
        %dma_wait3A_118 = tpu.memref_slice %arg7[%add3A_116, %dma_wait3A_117] : memref<32x64xi32, #tpu.memory_space<vmem>> -> memref<1x64xi32, #tpu.memory_space<vmem>>
        %dma_wait3A_119 = tpu.memref_squeeze %dma_wait3A_118 : memref<1x64xi32, #tpu.memory_space<vmem>> -> memref<64xi32, #tpu.memory_space<vmem>>
        %dma_wait3A_120 = arith.constant 0 : i32
        %dma_wait3A_121 = arith.constant 0 : i32
        %dma_wait3A_122 = tpu.memref_slice %arg17[%dma_wait3A_120, %dma_wait3A_121] : memref<10016x64xf32, #tpu.memory_space<vmem_shared>> -> memref<10016x64xf32, #tpu.memory_space<vmem_shared>>
        tpu.wait_indirect_dma semaphore(%arg16 : memref<!tpu.dma_semaphore, #tpu.memory_space<semaphore_mem>>) src(%dma_wait3A_122 : memref<10016x64xf32, #tpu.memory_space<vmem_shared>>) dst(%arg12 : memref<64x64xf32, #tpu.memory_space<vmem>>)
        "tpu.region"() ({
          %run_scoped3A_130 = tpu.sem_alloc : memref<!tpu.dma_semaphore, #tpu.memory_space<semaphore_mem>>
          %dma_start3A_131 = arith.constant 0 : i32
          %dma_start3A_132 = tpu.memref_slice %arg8[%add3A_116, %dma_start3A_131] : memref<32x64xi32, #tpu.memory_space<vmem>> -> memref<1x64xi32, #tpu.memory_space<vmem>>
          %dma_start3A_133 = tpu.memref_squeeze %dma_start3A_132 : memref<1x64xi32, #tpu.memory_space<vmem>> -> memref<64xi32, #tpu.memory_space<vmem>>
          %dma_start3A_134 = arith.constant 0 : i32
          %dma_start3A_135 = arith.constant 0 : i32
          %dma_start3A_136 = tpu.memref_slice %arg18[%dma_start3A_134, %dma_start3A_135] : memref<10240x64xf32, #tpu.memory_space<vmem_shared>> -> memref<10240x64xf32, #tpu.memory_space<vmem_shared>>
          tpu.enqueue_indirect_dma source(%arg12 : memref<64x64xf32, #tpu.memory_space<vmem>>) target(%dma_start3A_136 : memref<10240x64xf32, #tpu.memory_space<vmem_shared>>) offsets(%dma_start3A_133 : memref<64xi32, #tpu.memory_space<vmem>>) semaphore(%run_scoped3A_130 : memref<!tpu.dma_semaphore, #tpu.memory_space<semaphore_mem>>) {add = true}
          %dma_wait3A_137 = arith.constant 0 : i32
          %dma_wait3A_138 = tpu.memref_slice %arg8[%add3A_116, %dma_wait3A_137] : memref<32x64xi32, #tpu.memory_space<vmem>> -> memref<1x64xi32, #tpu.memory_space<vmem>>
          %dma_wait3A_139 = tpu.memref_squeeze %dma_wait3A_138 : memref<1x64xi32, #tpu.memory_space<vmem>> -> memref<64xi32, #tpu.memory_space<vmem>>
          %dma_wait3A_140 = arith.constant 0 : i32
          %dma_wait3A_141 = arith.constant 0 : i32
          %dma_wait3A_142 = tpu.memref_slice %arg18[%dma_wait3A_140, %dma_wait3A_141] : memref<10240x64xf32, #tpu.memory_space<vmem_shared>> -> memref<10240x64xf32, #tpu.memory_space<vmem_shared>>
          tpu.wait_indirect_dma semaphore(%run_scoped3A_130 : memref<!tpu.dma_semaphore, #tpu.memory_space<semaphore_mem>>) src(%arg12 : memref<64x64xf32, #tpu.memory_space<vmem>>) dst(%dma_wait3A_142 : memref<10240x64xf32, #tpu.memory_space<vmem_shared>>)
          tpu.yield
        }) : () -> ()
        %add3A_123 = arith.constant 4 : i32
        %add3A_124 = arith.addi %add3A_116, %add3A_123 : i32
        %lt3A_125 = arith.constant 32 : i32
        %lt3A_126 = arith.cmpi slt, %add3A_124, %lt3A_125 : i32
        %convert_element_type3A_127 = arith.extui %lt3A_126 : i1 to i32
        %cond3A_128 = arith.constant 0 : i32
        %cond3A_129 = arith.cmpi ne, %convert_element_type3A_127, %cond3A_128 : i32
        scf.if %cond3A_129 {
          %add3A_130 = arith.constant 4 : i32
          %add3A_131 = arith.addi %add3A_116, %add3A_130 : i32
          %dma_start3A_132 = arith.constant 0 : i32
          %dma_start3A_133 = tpu.memref_slice %arg7[%add3A_131, %dma_start3A_132] : memref<32x64xi32, #tpu.memory_space<vmem>> -> memref<1x64xi32, #tpu.memory_space<vmem>>
          %dma_start3A_134 = tpu.memref_squeeze %dma_start3A_133 : memref<1x64xi32, #tpu.memory_space<vmem>> -> memref<64xi32, #tpu.memory_space<vmem>>
          %dma_start3A_135 = arith.constant 0 : i32
          %dma_start3A_136 = arith.constant 0 : i32
          %dma_start3A_137 = tpu.memref_slice %arg17[%dma_start3A_135, %dma_start3A_136] : memref<10016x64xf32, #tpu.memory_space<vmem_shared>> -> memref<10016x64xf32, #tpu.memory_space<vmem_shared>>
          tpu.enqueue_indirect_dma source(%dma_start3A_137 : memref<10016x64xf32, #tpu.memory_space<vmem_shared>>) target(%arg12 : memref<64x64xf32, #tpu.memory_space<vmem>>) offsets(%dma_start3A_134 : memref<64xi32, #tpu.memory_space<vmem>>) semaphore(%arg16 : memref<!tpu.dma_semaphore, #tpu.memory_space<semaphore_mem>>)
        } else {
        }
      }
      %scan3A_64 = arith.constant 8 : i32
    }
    %scan3A_11 = arith.constant 5 : i32
    %barrier3A_12 = arith.constant 0 : index
    tpu.barrier barrier_id(%barrier3A_12)
    "tpu.region"() ({
      %run_scoped3A_26 = tpu.sem_alloc : memref<!tpu.dma_semaphore, #tpu.memory_space<semaphore_mem>>
      %dma_start3A = arith.constant 0 : i32
      %dma_start3A_27 = tpu.memref_slice %arg6[%arg0, %mul3A_0, %dma_start3A] : memref<2x10240x128xf32, #tpu.memory_space<hbm>> -> memref<1x640x64xf32, #tpu.memory_space<hbm>>
      %dma_start3A_28 = tpu.memref_squeeze %dma_start3A_27 : memref<1x640x64xf32, #tpu.memory_space<hbm>> -> memref<640x64xf32, #tpu.memory_space<hbm>>
      %dma_start3A_29 = arith.constant 0 : i32
      %dma_start3A_30 = tpu.memref_slice %arg18[%mul3A_0, %dma_start3A_29] : memref<10240x64xf32, #tpu.memory_space<vmem_shared>> -> memref<640x64xf32, #tpu.memory_space<vmem_shared>>
      tpu.enqueue_dma source(%dma_start3A_30 : memref<640x64xf32, #tpu.memory_space<vmem_shared>>) target(%dma_start3A_28 : memref<640x64xf32, #tpu.memory_space<hbm>>) target_semaphore(%run_scoped3A_26 : memref<!tpu.dma_semaphore, #tpu.memory_space<semaphore_mem>>)
      %dma_wait3A = arith.constant 0 : i32
      %dma_wait3A_31 = tpu.memref_slice %arg6[%arg0, %mul3A_0, %dma_wait3A] : memref<2x10240x128xf32, #tpu.memory_space<hbm>> -> memref<1x640x64xf32, #tpu.memory_space<hbm>>
      %dma_wait3A_32 = tpu.memref_squeeze %dma_wait3A_31 : memref<1x640x64xf32, #tpu.memory_space<hbm>> -> memref<640x64xf32, #tpu.memory_space<hbm>>
      %dma_wait3A_33 = arith.constant 0 : i32
      %dma_wait3A_34 = tpu.memref_slice %arg18[%mul3A_0, %dma_wait3A_33] : memref<10240x64xf32, #tpu.memory_space<vmem_shared>> -> memref<640x64xf32, #tpu.memory_space<vmem_shared>>
      tpu.wait_dma2 semaphore(%run_scoped3A_26 : memref<!tpu.dma_semaphore, #tpu.memory_space<semaphore_mem>>) src(%dma_wait3A_34 : memref<640x64xf32, #tpu.memory_space<vmem_shared>>) dst(%dma_wait3A_32 : memref<640x64xf32, #tpu.memory_space<hbm>>)
      tpu.yield
    }) : () -> ()
    %mul3A_13 = arith.constant 626 : i32
    %mul3A_14 = arith.muli %arg1, %mul3A_13 : i32
    %mul3A_15 = arith.constant 626 : i32
    %mul3A_16 = arith.muli %arg1, %mul3A_15 : i32
    %run_scoped3A_17 = arith.constant 1 : i32
    "tpu.region"() ({
      %run_scoped3A_26 = tpu.sem_alloc : memref<!tpu.dma_semaphore, #tpu.memory_space<semaphore_mem>>
      %dma_start3A = arith.constant 0 : i32
      %dma_start3A_27 = tpu.memref_slice %arg17[%mul3A_16, %dma_start3A] : memref<10016x64xf32, #tpu.memory_space<vmem_shared>> -> memref<626x64xf32, #tpu.memory_space<vmem_shared>>
      %dma_start3A_28 = arith.constant 0 : i32
      %dma_start3A_29 = tpu.memref_slice %arg2[%run_scoped3A_17, %mul3A_14, %dma_start3A_28] : memref<2x10016x64xf32, #tpu.memory_space<hbm>> -> memref<1x626x64xf32, #tpu.memory_space<hbm>>
      %dma_start3A_30 = tpu.memref_squeeze %dma_start3A_29 : memref<1x626x64xf32, #tpu.memory_space<hbm>> -> memref<626x64xf32, #tpu.memory_space<hbm>>
      tpu.enqueue_dma source(%dma_start3A_30 : memref<626x64xf32, #tpu.memory_space<hbm>>) target(%dma_start3A_27 : memref<626x64xf32, #tpu.memory_space<vmem_shared>>) target_semaphore(%run_scoped3A_26 : memref<!tpu.dma_semaphore, #tpu.memory_space<semaphore_mem>>)
      %dma_wait3A = arith.constant 0 : i32
      %dma_wait3A_31 = tpu.memref_slice %arg17[%mul3A_16, %dma_wait3A] : memref<10016x64xf32, #tpu.memory_space<vmem_shared>> -> memref<626x64xf32, #tpu.memory_space<vmem_shared>>
      %dma_wait3A_32 = arith.constant 0 : i32
      %dma_wait3A_33 = tpu.memref_slice %arg2[%run_scoped3A_17, %mul3A_14, %dma_wait3A_32] : memref<2x10016x64xf32, #tpu.memory_space<hbm>> -> memref<1x626x64xf32, #tpu.memory_space<hbm>>
      %dma_wait3A_34 = tpu.memref_squeeze %dma_wait3A_33 : memref<1x626x64xf32, #tpu.memory_space<hbm>> -> memref<626x64xf32, #tpu.memory_space<hbm>>
      tpu.wait_dma2 semaphore(%run_scoped3A_26 : memref<!tpu.dma_semaphore, #tpu.memory_space<semaphore_mem>>) src(%dma_wait3A_34 : memref<626x64xf32, #tpu.memory_space<hbm>>) dst(%dma_wait3A_31 : memref<626x64xf32, #tpu.memory_space<vmem_shared>>)
      tpu.yield
    }) : () -> ()
    "tpu.region"() ({
      %run_scoped3A_26 = tpu.sem_alloc : memref<!tpu.dma_semaphore, #tpu.memory_space<semaphore_mem>>
      %dma_start3A = arith.constant 0 : i32
      %dma_start3A_27 = tpu.memref_slice %arg18[%mul3A_0, %dma_start3A] : memref<10240x64xf32, #tpu.memory_space<vmem_shared>> -> memref<640x64xf32, #tpu.memory_space<vmem_shared>>
      %dma_start3A_28 = arith.constant 0 : i32
      %dma_start3A_29 = tpu.memref_slice %arg5[%mul3A_0, %dma_start3A_28] : memref<10240x64xf32, #tpu.memory_space<hbm>> -> memref<640x64xf32, #tpu.memory_space<hbm>>
      tpu.enqueue_dma source(%dma_start3A_29 : memref<640x64xf32, #tpu.memory_space<hbm>>) target(%dma_start3A_27 : memref<640x64xf32, #tpu.memory_space<vmem_shared>>) target_semaphore(%run_scoped3A_26 : memref<!tpu.dma_semaphore, #tpu.memory_space<semaphore_mem>>)
      %dma_wait3A = arith.constant 0 : i32
      %dma_wait3A_30 = tpu.memref_slice %arg18[%mul3A_0, %dma_wait3A] : memref<10240x64xf32, #tpu.memory_space<vmem_shared>> -> memref<640x64xf32, #tpu.memory_space<vmem_shared>>
      %dma_wait3A_31 = arith.constant 0 : i32
      %dma_wait3A_32 = tpu.memref_slice %arg5[%mul3A_0, %dma_wait3A_31] : memref<10240x64xf32, #tpu.memory_space<hbm>> -> memref<640x64xf32, #tpu.memory_space<hbm>>
      tpu.wait_dma2 semaphore(%run_scoped3A_26 : memref<!tpu.dma_semaphore, #tpu.memory_space<semaphore_mem>>) src(%dma_wait3A_32 : memref<640x64xf32, #tpu.memory_space<hbm>>) dst(%dma_wait3A_30 : memref<640x64xf32, #tpu.memory_space<vmem_shared>>)
      tpu.yield
    }) : () -> ()
    %barrier3A_18 = arith.constant 0 : index
    tpu.barrier barrier_id(%barrier3A_18)
    %scan3A_19 = arith.constant 0 : i32
    %scan3A_20 = arith.constant 0 : i32
    %scan3A_21 = arith.constant 5 : i32
    %scan3A_22 = arith.addi %scan3A_20, %scan3A_21 : i32
    %scan3A_23 = arith.constant 1 : i32
    scf.for %scan3A_26 = %scan3A_20 to %scan3A_22 step %scan3A_23  : i32 {
      %mul3A_27 = arith.constant 160 : i32
      %mul3A_28 = arith.muli %add3A, %mul3A_27 : i32
      %mul3A_29 = arith.constant 32 : i32
      %mul3A_30 = arith.muli %scan3A_26, %mul3A_29 : i32
      %add3A_31 = arith.addi %mul3A_28, %mul3A_30 : i32
      "tpu.region"() ({
        %run_scoped3A_65 = tpu.sem_alloc : memref<!tpu.dma_semaphore, #tpu.memory_space<semaphore_mem>>
        %dma_start3A_66 = arith.constant 0 : i32
        %dma_start3A_67 = tpu.memref_slice %arg3[%add3A_31, %dma_start3A_66] : memref<5120x64xi32, #tpu.memory_space<hbm>> -> memref<32x64xi32, #tpu.memory_space<hbm>>
        %dma_start3A_68 = arith.constant 0 : i32
        %dma_start3A_69 = tpu.memref_slice %arg3[%add3A_31, %dma_start3A_68] : memref<5120x64xi32, #tpu.memory_space<hbm>> -> memref<32x64xi32, #tpu.memory_space<hbm>>
        tpu.enqueue_dma source(%dma_start3A_69 : memref<32x64xi32, #tpu.memory_space<hbm>>) target(%arg7 : memref<32x64xi32, #tpu.memory_space<vmem>>) target_semaphore(%run_scoped3A_65 : memref<!tpu.dma_semaphore, #tpu.memory_space<semaphore_mem>>)
        %dma_wait3A = arith.constant 0 : i32
        %dma_wait3A_70 = tpu.memref_slice %arg3[%add3A_31, %dma_wait3A] : memref<5120x64xi32, #tpu.memory_space<hbm>> -> memref<32x64xi32, #tpu.memory_space<hbm>>
        %dma_wait3A_71 = arith.constant 0 : i32
        %dma_wait3A_72 = tpu.memref_slice %arg3[%add3A_31, %dma_wait3A_71] : memref<5120x64xi32, #tpu.memory_space<hbm>> -> memref<32x64xi32, #tpu.memory_space<hbm>>
        tpu.wait_dma2 semaphore(%run_scoped3A_65 : memref<!tpu.dma_semaphore, #tpu.memory_space<semaphore_mem>>) src(%dma_wait3A_72 : memref<32x64xi32, #tpu.memory_space<hbm>>) dst(%arg7 : memref<32x64xi32, #tpu.memory_space<vmem>>)
        tpu.yield
      }) : () -> ()
      "tpu.region"() ({
        %run_scoped3A_65 = tpu.sem_alloc : memref<!tpu.dma_semaphore, #tpu.memory_space<semaphore_mem>>
        %dma_start3A_66 = arith.constant 0 : i32
        %dma_start3A_67 = tpu.memref_slice %arg4[%add3A_31, %dma_start3A_66] : memref<5120x64xi32, #tpu.memory_space<hbm>> -> memref<32x64xi32, #tpu.memory_space<hbm>>
        %dma_start3A_68 = arith.constant 0 : i32
        %dma_start3A_69 = tpu.memref_slice %arg4[%add3A_31, %dma_start3A_68] : memref<5120x64xi32, #tpu.memory_space<hbm>> -> memref<32x64xi32, #tpu.memory_space<hbm>>
        tpu.enqueue_dma source(%dma_start3A_69 : memref<32x64xi32, #tpu.memory_space<hbm>>) target(%arg8 : memref<32x64xi32, #tpu.memory_space<vmem>>) target_semaphore(%run_scoped3A_65 : memref<!tpu.dma_semaphore, #tpu.memory_space<semaphore_mem>>)
        %dma_wait3A = arith.constant 0 : i32
        %dma_wait3A_70 = tpu.memref_slice %arg4[%add3A_31, %dma_wait3A] : memref<5120x64xi32, #tpu.memory_space<hbm>> -> memref<32x64xi32, #tpu.memory_space<hbm>>
        %dma_wait3A_71 = arith.constant 0 : i32
        %dma_wait3A_72 = tpu.memref_slice %arg4[%add3A_31, %dma_wait3A_71] : memref<5120x64xi32, #tpu.memory_space<hbm>> -> memref<32x64xi32, #tpu.memory_space<hbm>>
        tpu.wait_dma2 semaphore(%run_scoped3A_65 : memref<!tpu.dma_semaphore, #tpu.memory_space<semaphore_mem>>) src(%dma_wait3A_72 : memref<32x64xi32, #tpu.memory_space<hbm>>) dst(%arg8 : memref<32x64xi32, #tpu.memory_space<vmem>>)
        tpu.yield
      }) : () -> ()
      %dma_start3A = arith.constant 0 : i32
      %dma_start3A_32 = arith.constant 0 : i32
      %dma_start3A_33 = tpu.memref_slice %arg7[%dma_start3A, %dma_start3A_32] : memref<32x64xi32, #tpu.memory_space<vmem>> -> memref<1x64xi32, #tpu.memory_space<vmem>>
      %dma_start3A_34 = tpu.memref_squeeze %dma_start3A_33 : memref<1x64xi32, #tpu.memory_space<vmem>> -> memref<64xi32, #tpu.memory_space<vmem>>
      %dma_start3A_35 = arith.constant 0 : i32
      %dma_start3A_36 = arith.constant 0 : i32
      %dma_start3A_37 = tpu.memref_slice %arg17[%dma_start3A_35, %dma_start3A_36] : memref<10016x64xf32, #tpu.memory_space<vmem_shared>> -> memref<10016x64xf32, #tpu.memory_space<vmem_shared>>
      tpu.enqueue_indirect_dma source(%dma_start3A_37 : memref<10016x64xf32, #tpu.memory_space<vmem_shared>>) target(%arg9 : memref<64x64xf32, #tpu.memory_space<vmem>>) offsets(%dma_start3A_34 : memref<64xi32, #tpu.memory_space<vmem>>) semaphore(%arg13 : memref<!tpu.dma_semaphore, #tpu.memory_space<semaphore_mem>>)
      %dma_start3A_38 = arith.constant 1 : i32
      %dma_start3A_39 = arith.constant 0 : i32
      %dma_start3A_40 = tpu.memref_slice %arg7[%dma_start3A_38, %dma_start3A_39] : memref<32x64xi32, #tpu.memory_space<vmem>> -> memref<1x64xi32, #tpu.memory_space<vmem>>
      %dma_start3A_41 = tpu.memref_squeeze %dma_start3A_40 : memref<1x64xi32, #tpu.memory_space<vmem>> -> memref<64xi32, #tpu.memory_space<vmem>>
      %dma_start3A_42 = arith.constant 0 : i32
      %dma_start3A_43 = arith.constant 0 : i32
      %dma_start3A_44 = tpu.memref_slice %arg17[%dma_start3A_42, %dma_start3A_43] : memref<10016x64xf32, #tpu.memory_space<vmem_shared>> -> memref<10016x64xf32, #tpu.memory_space<vmem_shared>>
      tpu.enqueue_indirect_dma source(%dma_start3A_44 : memref<10016x64xf32, #tpu.memory_space<vmem_shared>>) target(%arg10 : memref<64x64xf32, #tpu.memory_space<vmem>>) offsets(%dma_start3A_41 : memref<64xi32, #tpu.memory_space<vmem>>) semaphore(%arg14 : memref<!tpu.dma_semaphore, #tpu.memory_space<semaphore_mem>>)
      %dma_start3A_45 = arith.constant 2 : i32
      %dma_start3A_46 = arith.constant 0 : i32
      %dma_start3A_47 = tpu.memref_slice %arg7[%dma_start3A_45, %dma_start3A_46] : memref<32x64xi32, #tpu.memory_space<vmem>> -> memref<1x64xi32, #tpu.memory_space<vmem>>
      %dma_start3A_48 = tpu.memref_squeeze %dma_start3A_47 : memref<1x64xi32, #tpu.memory_space<vmem>> -> memref<64xi32, #tpu.memory_space<vmem>>
      %dma_start3A_49 = arith.constant 0 : i32
      %dma_start3A_50 = arith.constant 0 : i32
      %dma_start3A_51 = tpu.memref_slice %arg17[%dma_start3A_49, %dma_start3A_50] : memref<10016x64xf32, #tpu.memory_space<vmem_shared>> -> memref<10016x64xf32, #tpu.memory_space<vmem_shared>>
      tpu.enqueue_indirect_dma source(%dma_start3A_51 : memref<10016x64xf32, #tpu.memory_space<vmem_shared>>) target(%arg11 : memref<64x64xf32, #tpu.memory_space<vmem>>) offsets(%dma_start3A_48 : memref<64xi32, #tpu.memory_space<vmem>>) semaphore(%arg15 : memref<!tpu.dma_semaphore, #tpu.memory_space<semaphore_mem>>)
      %dma_start3A_52 = arith.constant 3 : i32
      %dma_start3A_53 = arith.constant 0 : i32
      %dma_start3A_54 = tpu.memref_slice %arg7[%dma_start3A_52, %dma_start3A_53] : memref<32x64xi32, #tpu.memory_space<vmem>> -> memref<1x64xi32, #tpu.memory_space<vmem>>
      %dma_start3A_55 = tpu.memref_squeeze %dma_start3A_54 : memref<1x64xi32, #tpu.memory_space<vmem>> -> memref<64xi32, #tpu.memory_space<vmem>>
      %dma_start3A_56 = arith.constant 0 : i32
      %dma_start3A_57 = arith.constant 0 : i32
      %dma_start3A_58 = tpu.memref_slice %arg17[%dma_start3A_56, %dma_start3A_57] : memref<10016x64xf32, #tpu.memory_space<vmem_shared>> -> memref<10016x64xf32, #tpu.memory_space<vmem_shared>>
      tpu.enqueue_indirect_dma source(%dma_start3A_58 : memref<10016x64xf32, #tpu.memory_space<vmem_shared>>) target(%arg12 : memref<64x64xf32, #tpu.memory_space<vmem>>) offsets(%dma_start3A_55 : memref<64xi32, #tpu.memory_space<vmem>>) semaphore(%arg16 : memref<!tpu.dma_semaphore, #tpu.memory_space<semaphore_mem>>)
      %scan3A_59 = arith.constant 0 : i32
      %scan3A_60 = arith.constant 0 : i32
      %scan3A_61 = arith.constant 8 : i32
      %scan3A_62 = arith.addi %scan3A_60, %scan3A_61 : i32
      %scan3A_63 = arith.constant 1 : i32
      scf.for %scan3A_65 = %scan3A_60 to %scan3A_62 step %scan3A_63  : i32 {
        %mul3A_66 = arith.constant 4 : i32
        %mul3A_67 = arith.muli %scan3A_65, %mul3A_66 : i32
        %add3A_68 = arith.constant 0 : i32
        %add3A_69 = arith.addi %mul3A_67, %add3A_68 : i32
        %dma_wait3A = arith.constant 0 : i32
        %dma_wait3A_70 = tpu.memref_slice %arg7[%add3A_69, %dma_wait3A] : memref<32x64xi32, #tpu.memory_space<vmem>> -> memref<1x64xi32, #tpu.memory_space<vmem>>
        %dma_wait3A_71 = tpu.memref_squeeze %dma_wait3A_70 : memref<1x64xi32, #tpu.memory_space<vmem>> -> memref<64xi32, #tpu.memory_space<vmem>>
        %dma_wait3A_72 = arith.constant 0 : i32
        %dma_wait3A_73 = arith.constant 0 : i32
        %dma_wait3A_74 = tpu.memref_slice %arg17[%dma_wait3A_72, %dma_wait3A_73] : memref<10016x64xf32, #tpu.memory_space<vmem_shared>> -> memref<10016x64xf32, #tpu.memory_space<vmem_shared>>
        tpu.wait_indirect_dma semaphore(%arg13 : memref<!tpu.dma_semaphore, #tpu.memory_space<semaphore_mem>>) src(%dma_wait3A_74 : memref<10016x64xf32, #tpu.memory_space<vmem_shared>>) dst(%arg9 : memref<64x64xf32, #tpu.memory_space<vmem>>)
        "tpu.region"() ({
          %run_scoped3A_130 = tpu.sem_alloc : memref<!tpu.dma_semaphore, #tpu.memory_space<semaphore_mem>>
          %dma_start3A_131 = arith.constant 0 : i32
          %dma_start3A_132 = tpu.memref_slice %arg8[%add3A_69, %dma_start3A_131] : memref<32x64xi32, #tpu.memory_space<vmem>> -> memref<1x64xi32, #tpu.memory_space<vmem>>
          %dma_start3A_133 = tpu.memref_squeeze %dma_start3A_132 : memref<1x64xi32, #tpu.memory_space<vmem>> -> memref<64xi32, #tpu.memory_space<vmem>>
          %dma_start3A_134 = arith.constant 0 : i32
          %dma_start3A_135 = arith.constant 0 : i32
          %dma_start3A_136 = tpu.memref_slice %arg18[%dma_start3A_134, %dma_start3A_135] : memref<10240x64xf32, #tpu.memory_space<vmem_shared>> -> memref<10240x64xf32, #tpu.memory_space<vmem_shared>>
          tpu.enqueue_indirect_dma source(%arg9 : memref<64x64xf32, #tpu.memory_space<vmem>>) target(%dma_start3A_136 : memref<10240x64xf32, #tpu.memory_space<vmem_shared>>) offsets(%dma_start3A_133 : memref<64xi32, #tpu.memory_space<vmem>>) semaphore(%run_scoped3A_130 : memref<!tpu.dma_semaphore, #tpu.memory_space<semaphore_mem>>) {add = true}
          %dma_wait3A_137 = arith.constant 0 : i32
          %dma_wait3A_138 = tpu.memref_slice %arg8[%add3A_69, %dma_wait3A_137] : memref<32x64xi32, #tpu.memory_space<vmem>> -> memref<1x64xi32, #tpu.memory_space<vmem>>
          %dma_wait3A_139 = tpu.memref_squeeze %dma_wait3A_138 : memref<1x64xi32, #tpu.memory_space<vmem>> -> memref<64xi32, #tpu.memory_space<vmem>>
          %dma_wait3A_140 = arith.constant 0 : i32
          %dma_wait3A_141 = arith.constant 0 : i32
          %dma_wait3A_142 = tpu.memref_slice %arg18[%dma_wait3A_140, %dma_wait3A_141] : memref<10240x64xf32, #tpu.memory_space<vmem_shared>> -> memref<10240x64xf32, #tpu.memory_space<vmem_shared>>
          tpu.wait_indirect_dma semaphore(%run_scoped3A_130 : memref<!tpu.dma_semaphore, #tpu.memory_space<semaphore_mem>>) src(%arg9 : memref<64x64xf32, #tpu.memory_space<vmem>>) dst(%dma_wait3A_142 : memref<10240x64xf32, #tpu.memory_space<vmem_shared>>)
          tpu.yield
        }) : () -> ()
        %add3A_75 = arith.constant 4 : i32
        %add3A_76 = arith.addi %add3A_69, %add3A_75 : i32
        %lt3A = arith.constant 32 : i32
        %lt3A_77 = arith.cmpi slt, %add3A_76, %lt3A : i32
        %convert_element_type3A = arith.extui %lt3A_77 : i1 to i32
        %cond3A = arith.constant 0 : i32
        %cond3A_78 = arith.cmpi ne, %convert_element_type3A, %cond3A : i32
        scf.if %cond3A_78 {
          %add3A_130 = arith.constant 4 : i32
          %add3A_131 = arith.addi %add3A_69, %add3A_130 : i32
          %dma_start3A_132 = arith.constant 0 : i32
          %dma_start3A_133 = tpu.memref_slice %arg7[%add3A_131, %dma_start3A_132] : memref<32x64xi32, #tpu.memory_space<vmem>> -> memref<1x64xi32, #tpu.memory_space<vmem>>
          %dma_start3A_134 = tpu.memref_squeeze %dma_start3A_133 : memref<1x64xi32, #tpu.memory_space<vmem>> -> memref<64xi32, #tpu.memory_space<vmem>>
          %dma_start3A_135 = arith.constant 0 : i32
          %dma_start3A_136 = arith.constant 0 : i32
          %dma_start3A_137 = tpu.memref_slice %arg17[%dma_start3A_135, %dma_start3A_136] : memref<10016x64xf32, #tpu.memory_space<vmem_shared>> -> memref<10016x64xf32, #tpu.memory_space<vmem_shared>>
          tpu.enqueue_indirect_dma source(%dma_start3A_137 : memref<10016x64xf32, #tpu.memory_space<vmem_shared>>) target(%arg9 : memref<64x64xf32, #tpu.memory_space<vmem>>) offsets(%dma_start3A_134 : memref<64xi32, #tpu.memory_space<vmem>>) semaphore(%arg13 : memref<!tpu.dma_semaphore, #tpu.memory_space<semaphore_mem>>)
        } else {
        }
        %mul3A_79 = arith.constant 4 : i32
        %mul3A_80 = arith.muli %scan3A_65, %mul3A_79 : i32
        %add3A_81 = arith.constant 1 : i32
        %add3A_82 = arith.addi %mul3A_80, %add3A_81 : i32
        %dma_wait3A_83 = arith.constant 0 : i32
        %dma_wait3A_84 = tpu.memref_slice %arg7[%add3A_82, %dma_wait3A_83] : memref<32x64xi32, #tpu.memory_space<vmem>> -> memref<1x64xi32, #tpu.memory_space<vmem>>
        %dma_wait3A_85 = tpu.memref_squeeze %dma_wait3A_84 : memref<1x64xi32, #tpu.memory_space<vmem>> -> memref<64xi32, #tpu.memory_space<vmem>>
        %dma_wait3A_86 = arith.constant 0 : i32
        %dma_wait3A_87 = arith.constant 0 : i32
        %dma_wait3A_88 = tpu.memref_slice %arg17[%dma_wait3A_86, %dma_wait3A_87] : memref<10016x64xf32, #tpu.memory_space<vmem_shared>> -> memref<10016x64xf32, #tpu.memory_space<vmem_shared>>
        tpu.wait_indirect_dma semaphore(%arg14 : memref<!tpu.dma_semaphore, #tpu.memory_space<semaphore_mem>>) src(%dma_wait3A_88 : memref<10016x64xf32, #tpu.memory_space<vmem_shared>>) dst(%arg10 : memref<64x64xf32, #tpu.memory_space<vmem>>)
        "tpu.region"() ({
          %run_scoped3A_130 = tpu.sem_alloc : memref<!tpu.dma_semaphore, #tpu.memory_space<semaphore_mem>>
          %dma_start3A_131 = arith.constant 0 : i32
          %dma_start3A_132 = tpu.memref_slice %arg8[%add3A_82, %dma_start3A_131] : memref<32x64xi32, #tpu.memory_space<vmem>> -> memref<1x64xi32, #tpu.memory_space<vmem>>
          %dma_start3A_133 = tpu.memref_squeeze %dma_start3A_132 : memref<1x64xi32, #tpu.memory_space<vmem>> -> memref<64xi32, #tpu.memory_space<vmem>>
          %dma_start3A_134 = arith.constant 0 : i32
          %dma_start3A_135 = arith.constant 0 : i32
          %dma_start3A_136 = tpu.memref_slice %arg18[%dma_start3A_134, %dma_start3A_135] : memref<10240x64xf32, #tpu.memory_space<vmem_shared>> -> memref<10240x64xf32, #tpu.memory_space<vmem_shared>>
          tpu.enqueue_indirect_dma source(%arg10 : memref<64x64xf32, #tpu.memory_space<vmem>>) target(%dma_start3A_136 : memref<10240x64xf32, #tpu.memory_space<vmem_shared>>) offsets(%dma_start3A_133 : memref<64xi32, #tpu.memory_space<vmem>>) semaphore(%run_scoped3A_130 : memref<!tpu.dma_semaphore, #tpu.memory_space<semaphore_mem>>) {add = true}
          %dma_wait3A_137 = arith.constant 0 : i32
          %dma_wait3A_138 = tpu.memref_slice %arg8[%add3A_82, %dma_wait3A_137] : memref<32x64xi32, #tpu.memory_space<vmem>> -> memref<1x64xi32, #tpu.memory_space<vmem>>
          %dma_wait3A_139 = tpu.memref_squeeze %dma_wait3A_138 : memref<1x64xi32, #tpu.memory_space<vmem>> -> memref<64xi32, #tpu.memory_space<vmem>>
          %dma_wait3A_140 = arith.constant 0 : i32
          %dma_wait3A_141 = arith.constant 0 : i32
          %dma_wait3A_142 = tpu.memref_slice %arg18[%dma_wait3A_140, %dma_wait3A_141] : memref<10240x64xf32, #tpu.memory_space<vmem_shared>> -> memref<10240x64xf32, #tpu.memory_space<vmem_shared>>
          tpu.wait_indirect_dma semaphore(%run_scoped3A_130 : memref<!tpu.dma_semaphore, #tpu.memory_space<semaphore_mem>>) src(%arg10 : memref<64x64xf32, #tpu.memory_space<vmem>>) dst(%dma_wait3A_142 : memref<10240x64xf32, #tpu.memory_space<vmem_shared>>)
          tpu.yield
        }) : () -> ()
        %add3A_89 = arith.constant 4 : i32
        %add3A_90 = arith.addi %add3A_82, %add3A_89 : i32
        %lt3A_91 = arith.constant 32 : i32
        %lt3A_92 = arith.cmpi slt, %add3A_90, %lt3A_91 : i32
        %convert_element_type3A_93 = arith.extui %lt3A_92 : i1 to i32
        %cond3A_94 = arith.constant 0 : i32
        %cond3A_95 = arith.cmpi ne, %convert_element_type3A_93, %cond3A_94 : i32
        scf.if %cond3A_95 {
          %add3A_130 = arith.constant 4 : i32
          %add3A_131 = arith.addi %add3A_82, %add3A_130 : i32
          %dma_start3A_132 = arith.constant 0 : i32
          %dma_start3A_133 = tpu.memref_slice %arg7[%add3A_131, %dma_start3A_132] : memref<32x64xi32, #tpu.memory_space<vmem>> -> memref<1x64xi32, #tpu.memory_space<vmem>>
          %dma_start3A_134 = tpu.memref_squeeze %dma_start3A_133 : memref<1x64xi32, #tpu.memory_space<vmem>> -> memref<64xi32, #tpu.memory_space<vmem>>
          %dma_start3A_135 = arith.constant 0 : i32
          %dma_start3A_136 = arith.constant 0 : i32
          %dma_start3A_137 = tpu.memref_slice %arg17[%dma_start3A_135, %dma_start3A_136] : memref<10016x64xf32, #tpu.memory_space<vmem_shared>> -> memref<10016x64xf32, #tpu.memory_space<vmem_shared>>
          tpu.enqueue_indirect_dma source(%dma_start3A_137 : memref<10016x64xf32, #tpu.memory_space<vmem_shared>>) target(%arg10 : memref<64x64xf32, #tpu.memory_space<vmem>>) offsets(%dma_start3A_134 : memref<64xi32, #tpu.memory_space<vmem>>) semaphore(%arg14 : memref<!tpu.dma_semaphore, #tpu.memory_space<semaphore_mem>>)
        } else {
        }
        %mul3A_96 = arith.constant 4 : i32
        %mul3A_97 = arith.muli %scan3A_65, %mul3A_96 : i32
        %add3A_98 = arith.constant 2 : i32
        %add3A_99 = arith.addi %mul3A_97, %add3A_98 : i32
        %dma_wait3A_100 = arith.constant 0 : i32
        %dma_wait3A_101 = tpu.memref_slice %arg7[%add3A_99, %dma_wait3A_100] : memref<32x64xi32, #tpu.memory_space<vmem>> -> memref<1x64xi32, #tpu.memory_space<vmem>>
        %dma_wait3A_102 = tpu.memref_squeeze %dma_wait3A_101 : memref<1x64xi32, #tpu.memory_space<vmem>> -> memref<64xi32, #tpu.memory_space<vmem>>
        %dma_wait3A_103 = arith.constant 0 : i32
        %dma_wait3A_104 = arith.constant 0 : i32
        %dma_wait3A_105 = tpu.memref_slice %arg17[%dma_wait3A_103, %dma_wait3A_104] : memref<10016x64xf32, #tpu.memory_space<vmem_shared>> -> memref<10016x64xf32, #tpu.memory_space<vmem_shared>>
        tpu.wait_indirect_dma semaphore(%arg15 : memref<!tpu.dma_semaphore, #tpu.memory_space<semaphore_mem>>) src(%dma_wait3A_105 : memref<10016x64xf32, #tpu.memory_space<vmem_shared>>) dst(%arg11 : memref<64x64xf32, #tpu.memory_space<vmem>>)
        "tpu.region"() ({
          %run_scoped3A_130 = tpu.sem_alloc : memref<!tpu.dma_semaphore, #tpu.memory_space<semaphore_mem>>
          %dma_start3A_131 = arith.constant 0 : i32
          %dma_start3A_132 = tpu.memref_slice %arg8[%add3A_99, %dma_start3A_131] : memref<32x64xi32, #tpu.memory_space<vmem>> -> memref<1x64xi32, #tpu.memory_space<vmem>>
          %dma_start3A_133 = tpu.memref_squeeze %dma_start3A_132 : memref<1x64xi32, #tpu.memory_space<vmem>> -> memref<64xi32, #tpu.memory_space<vmem>>
          %dma_start3A_134 = arith.constant 0 : i32
          %dma_start3A_135 = arith.constant 0 : i32
          %dma_start3A_136 = tpu.memref_slice %arg18[%dma_start3A_134, %dma_start3A_135] : memref<10240x64xf32, #tpu.memory_space<vmem_shared>> -> memref<10240x64xf32, #tpu.memory_space<vmem_shared>>
          tpu.enqueue_indirect_dma source(%arg11 : memref<64x64xf32, #tpu.memory_space<vmem>>) target(%dma_start3A_136 : memref<10240x64xf32, #tpu.memory_space<vmem_shared>>) offsets(%dma_start3A_133 : memref<64xi32, #tpu.memory_space<vmem>>) semaphore(%run_scoped3A_130 : memref<!tpu.dma_semaphore, #tpu.memory_space<semaphore_mem>>) {add = true}
          %dma_wait3A_137 = arith.constant 0 : i32
          %dma_wait3A_138 = tpu.memref_slice %arg8[%add3A_99, %dma_wait3A_137] : memref<32x64xi32, #tpu.memory_space<vmem>> -> memref<1x64xi32, #tpu.memory_space<vmem>>
          %dma_wait3A_139 = tpu.memref_squeeze %dma_wait3A_138 : memref<1x64xi32, #tpu.memory_space<vmem>> -> memref<64xi32, #tpu.memory_space<vmem>>
          %dma_wait3A_140 = arith.constant 0 : i32
          %dma_wait3A_141 = arith.constant 0 : i32
          %dma_wait3A_142 = tpu.memref_slice %arg18[%dma_wait3A_140, %dma_wait3A_141] : memref<10240x64xf32, #tpu.memory_space<vmem_shared>> -> memref<10240x64xf32, #tpu.memory_space<vmem_shared>>
          tpu.wait_indirect_dma semaphore(%run_scoped3A_130 : memref<!tpu.dma_semaphore, #tpu.memory_space<semaphore_mem>>) src(%arg11 : memref<64x64xf32, #tpu.memory_space<vmem>>) dst(%dma_wait3A_142 : memref<10240x64xf32, #tpu.memory_space<vmem_shared>>)
          tpu.yield
        }) : () -> ()
        %add3A_106 = arith.constant 4 : i32
        %add3A_107 = arith.addi %add3A_99, %add3A_106 : i32
        %lt3A_108 = arith.constant 32 : i32
        %lt3A_109 = arith.cmpi slt, %add3A_107, %lt3A_108 : i32
        %convert_element_type3A_110 = arith.extui %lt3A_109 : i1 to i32
        %cond3A_111 = arith.constant 0 : i32
        %cond3A_112 = arith.cmpi ne, %convert_element_type3A_110, %cond3A_111 : i32
        scf.if %cond3A_112 {
          %add3A_130 = arith.constant 4 : i32
          %add3A_131 = arith.addi %add3A_99, %add3A_130 : i32
          %dma_start3A_132 = arith.constant 0 : i32
          %dma_start3A_133 = tpu.memref_slice %arg7[%add3A_131, %dma_start3A_132] : memref<32x64xi32, #tpu.memory_space<vmem>> -> memref<1x64xi32, #tpu.memory_space<vmem>>
          %dma_start3A_134 = tpu.memref_squeeze %dma_start3A_133 : memref<1x64xi32, #tpu.memory_space<vmem>> -> memref<64xi32, #tpu.memory_space<vmem>>
          %dma_start3A_135 = arith.constant 0 : i32
          %dma_start3A_136 = arith.constant 0 : i32
          %dma_start3A_137 = tpu.memref_slice %arg17[%dma_start3A_135, %dma_start3A_136] : memref<10016x64xf32, #tpu.memory_space<vmem_shared>> -> memref<10016x64xf32, #tpu.memory_space<vmem_shared>>
          tpu.enqueue_indirect_dma source(%dma_start3A_137 : memref<10016x64xf32, #tpu.memory_space<vmem_shared>>) target(%arg11 : memref<64x64xf32, #tpu.memory_space<vmem>>) offsets(%dma_start3A_134 : memref<64xi32, #tpu.memory_space<vmem>>) semaphore(%arg15 : memref<!tpu.dma_semaphore, #tpu.memory_space<semaphore_mem>>)
        } else {
        }
        %mul3A_113 = arith.constant 4 : i32
        %mul3A_114 = arith.muli %scan3A_65, %mul3A_113 : i32
        %add3A_115 = arith.constant 3 : i32
        %add3A_116 = arith.addi %mul3A_114, %add3A_115 : i32
        %dma_wait3A_117 = arith.constant 0 : i32
        %dma_wait3A_118 = tpu.memref_slice %arg7[%add3A_116, %dma_wait3A_117] : memref<32x64xi32, #tpu.memory_space<vmem>> -> memref<1x64xi32, #tpu.memory_space<vmem>>
        %dma_wait3A_119 = tpu.memref_squeeze %dma_wait3A_118 : memref<1x64xi32, #tpu.memory_space<vmem>> -> memref<64xi32, #tpu.memory_space<vmem>>
        %dma_wait3A_120 = arith.constant 0 : i32
        %dma_wait3A_121 = arith.constant 0 : i32
        %dma_wait3A_122 = tpu.memref_slice %arg17[%dma_wait3A_120, %dma_wait3A_121] : memref<10016x64xf32, #tpu.memory_space<vmem_shared>> -> memref<10016x64xf32, #tpu.memory_space<vmem_shared>>
        tpu.wait_indirect_dma semaphore(%arg16 : memref<!tpu.dma_semaphore, #tpu.memory_space<semaphore_mem>>) src(%dma_wait3A_122 : memref<10016x64xf32, #tpu.memory_space<vmem_shared>>) dst(%arg12 : memref<64x64xf32, #tpu.memory_space<vmem>>)
        "tpu.region"() ({
          %run_scoped3A_130 = tpu.sem_alloc : memref<!tpu.dma_semaphore, #tpu.memory_space<semaphore_mem>>
          %dma_start3A_131 = arith.constant 0 : i32
          %dma_start3A_132 = tpu.memref_slice %arg8[%add3A_116, %dma_start3A_131] : memref<32x64xi32, #tpu.memory_space<vmem>> -> memref<1x64xi32, #tpu.memory_space<vmem>>
          %dma_start3A_133 = tpu.memref_squeeze %dma_start3A_132 : memref<1x64xi32, #tpu.memory_space<vmem>> -> memref<64xi32, #tpu.memory_space<vmem>>
          %dma_start3A_134 = arith.constant 0 : i32
          %dma_start3A_135 = arith.constant 0 : i32
          %dma_start3A_136 = tpu.memref_slice %arg18[%dma_start3A_134, %dma_start3A_135] : memref<10240x64xf32, #tpu.memory_space<vmem_shared>> -> memref<10240x64xf32, #tpu.memory_space<vmem_shared>>
          tpu.enqueue_indirect_dma source(%arg12 : memref<64x64xf32, #tpu.memory_space<vmem>>) target(%dma_start3A_136 : memref<10240x64xf32, #tpu.memory_space<vmem_shared>>) offsets(%dma_start3A_133 : memref<64xi32, #tpu.memory_space<vmem>>) semaphore(%run_scoped3A_130 : memref<!tpu.dma_semaphore, #tpu.memory_space<semaphore_mem>>) {add = true}
          %dma_wait3A_137 = arith.constant 0 : i32
          %dma_wait3A_138 = tpu.memref_slice %arg8[%add3A_116, %dma_wait3A_137] : memref<32x64xi32, #tpu.memory_space<vmem>> -> memref<1x64xi32, #tpu.memory_space<vmem>>
          %dma_wait3A_139 = tpu.memref_squeeze %dma_wait3A_138 : memref<1x64xi32, #tpu.memory_space<vmem>> -> memref<64xi32, #tpu.memory_space<vmem>>
          %dma_wait3A_140 = arith.constant 0 : i32
          %dma_wait3A_141 = arith.constant 0 : i32
          %dma_wait3A_142 = tpu.memref_slice %arg18[%dma_wait3A_140, %dma_wait3A_141] : memref<10240x64xf32, #tpu.memory_space<vmem_shared>> -> memref<10240x64xf32, #tpu.memory_space<vmem_shared>>
          tpu.wait_indirect_dma semaphore(%run_scoped3A_130 : memref<!tpu.dma_semaphore, #tpu.memory_space<semaphore_mem>>) src(%arg12 : memref<64x64xf32, #tpu.memory_space<vmem>>) dst(%dma_wait3A_142 : memref<10240x64xf32, #tpu.memory_space<vmem_shared>>)
          tpu.yield
        }) : () -> ()
        %add3A_123 = arith.constant 4 : i32
        %add3A_124 = arith.addi %add3A_116, %add3A_123 : i32
        %lt3A_125 = arith.constant 32 : i32
        %lt3A_126 = arith.cmpi slt, %add3A_124, %lt3A_125 : i32
        %convert_element_type3A_127 = arith.extui %lt3A_126 : i1 to i32
        %cond3A_128 = arith.constant 0 : i32
        %cond3A_129 = arith.cmpi ne, %convert_element_type3A_127, %cond3A_128 : i32
        scf.if %cond3A_129 {
          %add3A_130 = arith.constant 4 : i32
          %add3A_131 = arith.addi %add3A_116, %add3A_130 : i32
          %dma_start3A_132 = arith.constant 0 : i32
          %dma_start3A_133 = tpu.memref_slice %arg7[%add3A_131, %dma_start3A_132] : memref<32x64xi32, #tpu.memory_space<vmem>> -> memref<1x64xi32, #tpu.memory_space<vmem>>
          %dma_start3A_134 = tpu.memref_squeeze %dma_start3A_133 : memref<1x64xi32, #tpu.memory_space<vmem>> -> memref<64xi32, #tpu.memory_space<vmem>>
          %dma_start3A_135 = arith.constant 0 : i32
          %dma_start3A_136 = arith.constant 0 : i32
          %dma_start3A_137 = tpu.memref_slice %arg17[%dma_start3A_135, %dma_start3A_136] : memref<10016x64xf32, #tpu.memory_space<vmem_shared>> -> memref<10016x64xf32, #tpu.memory_space<vmem_shared>>
          tpu.enqueue_indirect_dma source(%dma_start3A_137 : memref<10016x64xf32, #tpu.memory_space<vmem_shared>>) target(%arg12 : memref<64x64xf32, #tpu.memory_space<vmem>>) offsets(%dma_start3A_134 : memref<64xi32, #tpu.memory_space<vmem>>) semaphore(%arg16 : memref<!tpu.dma_semaphore, #tpu.memory_space<semaphore_mem>>)
        } else {
        }
      }
      %scan3A_64 = arith.constant 8 : i32
    }
    %scan3A_24 = arith.constant 5 : i32
    %barrier3A_25 = arith.constant 0 : index
    tpu.barrier barrier_id(%barrier3A_25)
    "tpu.region"() ({
      %run_scoped3A_26 = tpu.sem_alloc : memref<!tpu.dma_semaphore, #tpu.memory_space<semaphore_mem>>
      %dma_start3A = arith.constant 64 : i32
      %dma_start3A_27 = tpu.memref_slice %arg6[%arg0, %mul3A_0, %dma_start3A] : memref<2x10240x128xf32, #tpu.memory_space<hbm>> -> memref<1x640x64xf32, #tpu.memory_space<hbm>>
      %dma_start3A_28 = tpu.memref_squeeze %dma_start3A_27 : memref<1x640x64xf32, #tpu.memory_space<hbm>> -> memref<640x64xf32, #tpu.memory_space<hbm>>
      %dma_start3A_29 = arith.constant 0 : i32
      %dma_start3A_30 = tpu.memref_slice %arg18[%mul3A_0, %dma_start3A_29] : memref<10240x64xf32, #tpu.memory_space<vmem_shared>> -> memref<640x64xf32, #tpu.memory_space<vmem_shared>>
      tpu.enqueue_dma source(%dma_start3A_30 : memref<640x64xf32, #tpu.memory_space<vmem_shared>>) target(%dma_start3A_28 : memref<640x64xf32, #tpu.memory_space<hbm>>) target_semaphore(%run_scoped3A_26 : memref<!tpu.dma_semaphore, #tpu.memory_space<semaphore_mem>>)
      %dma_wait3A = arith.constant 64 : i32
      %dma_wait3A_31 = tpu.memref_slice %arg6[%arg0, %mul3A_0, %dma_wait3A] : memref<2x10240x128xf32, #tpu.memory_space<hbm>> -> memref<1x640x64xf32, #tpu.memory_space<hbm>>
      %dma_wait3A_32 = tpu.memref_squeeze %dma_wait3A_31 : memref<1x640x64xf32, #tpu.memory_space<hbm>> -> memref<640x64xf32, #tpu.memory_space<hbm>>
      %dma_wait3A_33 = arith.constant 0 : i32
      %dma_wait3A_34 = tpu.memref_slice %arg18[%mul3A_0, %dma_wait3A_33] : memref<10240x64xf32, #tpu.memory_space<vmem_shared>> -> memref<640x64xf32, #tpu.memory_space<vmem_shared>>
      tpu.wait_dma2 semaphore(%run_scoped3A_26 : memref<!tpu.dma_semaphore, #tpu.memory_space<semaphore_mem>>) src(%dma_wait3A_34 : memref<640x64xf32, #tpu.memory_space<vmem_shared>>) dst(%dma_wait3A_32 : memref<640x64xf32, #tpu.memory_space<hbm>>)
      tpu.yield
    }) : () -> ()
    return
  }
}

module attributes {stable_mosaic.version = 14 : i64} {
  func.func @_tc_layer1_body(%arg0: memref<2x10240x128xf32, #tpu.memory_space<vmem>>, %arg1: memref<10016x128xf32, #tpu.memory_space<vmem>>, %arg2: memref<128x8xf32, #tpu.memory_space<vmem>>, %arg3: memref<1x8xf32, #tpu.memory_space<vmem>>, %arg4: memref<128x8xf32, #tpu.memory_space<vmem>>, %arg5: memref<10016x8xf32, #tpu.memory_space<vmem>>) attributes {dimension_semantics = [], scalar_prefetch = 0 : i64, scratch_operands = 0 : i64, tpu.core_type = #tpu.core_type<tc>} {
    %get3A = arith.constant 0 : index
    %get3A_0 = arith.constant 0 : index
    %get3A_1 = arith.constant 0 : index
    %get3A_2 = vector.load %arg0[%get3A, %get3A_0, %get3A_1] : memref<2x10240x128xf32, #tpu.memory_space<vmem>>, vector<1x10016x128xf32>
    %get3A_3 = vector.shape_cast %get3A_2 : vector<1x10016x128xf32> to vector<10016x128xf32>
    %get3A_4 = arith.constant 1 : index
    %get3A_5 = arith.constant 0 : index
    %get3A_6 = arith.constant 0 : index
    %get3A_7 = vector.load %arg0[%get3A_4, %get3A_5, %get3A_6] : memref<2x10240x128xf32, #tpu.memory_space<vmem>>, vector<1x10016x128xf32>
    %get3A_8 = vector.shape_cast %get3A_7 : vector<1x10016x128xf32> to vector<10016x128xf32>
    %add3A = arith.addf %get3A_3, %get3A_8 : vector<10016x128xf32>
    %get3A_9 = arith.constant 0 : index
    %get3A_10 = arith.constant 0 : index
    %get3A_11 = vector.load %arg2[%get3A_9, %get3A_10] : memref<128x8xf32, #tpu.memory_space<vmem>>, vector<128x8xf32>
    %dot_general3A = arith.constant dense<0.000000e+00> : vector<10016x8xf32>
    %dot_general3A_12 = tpu.matmul %add3A, %get3A_11, %dot_general3A {dimension_numbers = #tpu.dot_dimension_numbers<[1], [0], [0], [1], [0, 0, 1, 1], [], []>, transpose_lhs_hint = false} : vector<10016x128xf32>, vector<128x8xf32>, vector<10016x8xf32> -> vector<10016x8xf32>
    %get3A_13 = arith.constant 0 : index
    %get3A_14 = arith.constant 0 : index
    %get3A_15 = vector.load %arg3[%get3A_13, %get3A_14] : memref<1x8xf32, #tpu.memory_space<vmem>>, vector<1x8xf32>
    %add3A_16 = vector.broadcast %get3A_15 : vector<1x8xf32> to vector<10016x8xf32>
    %add3A_17 = arith.addf %dot_general3A_12, %add3A_16 : vector<10016x8xf32>
    %get3A_18 = arith.constant 0 : index
    %get3A_19 = arith.constant 0 : index
    %get3A_20 = vector.load %arg1[%get3A_18, %get3A_19] : memref<10016x128xf32, #tpu.memory_space<vmem>>, vector<10016x128xf32>
    %get3A_21 = arith.constant 0 : index
    %get3A_22 = arith.constant 0 : index
    %get3A_23 = vector.load %arg4[%get3A_21, %get3A_22] : memref<128x8xf32, #tpu.memory_space<vmem>>, vector<128x8xf32>
    %dot_general3A_24 = arith.constant dense<0.000000e+00> : vector<10016x8xf32>
    %dot_general3A_25 = tpu.matmul %get3A_20, %get3A_23, %dot_general3A_24 {dimension_numbers = #tpu.dot_dimension_numbers<[1], [0], [0], [1], [0, 0, 1, 1], [], []>, transpose_lhs_hint = false} : vector<10016x128xf32>, vector<128x8xf32>, vector<10016x8xf32> -> vector<10016x8xf32>
    %add3A_26 = arith.addf %add3A_17, %dot_general3A_25 : vector<10016x8xf32>
    %max3A = arith.constant 0.000000e+00 : f32
    %max3A_27 = vector.broadcast %max3A : f32 to vector<10016x8xf32>
    %max3A_28 = arith.maximumf %add3A_26, %max3A_27 : vector<10016x8xf32>
    %swap3A = arith.constant 0 : index
    %swap3A_29 = arith.constant 0 : index
    %swap3A_30 = vector.load %arg5[%swap3A, %swap3A_29] : memref<10016x8xf32, #tpu.memory_space<vmem>>, vector<10016x8xf32>
    tpu.vector_store %arg5[%swap3A, %swap3A_29], %max3A_28 {strides = array<i32>} : memref<10016x8xf32, #tpu.memory_space<vmem>>, vector<10016x8xf32>,
    return
  }
}

module attributes {stable_mosaic.version = 14 : i64} {
  func.func @_tc_head_body(%arg0: memref<2x10240x8xf32, #tpu.memory_space<vmem>>, %arg1: memref<10016x8xf32, #tpu.memory_space<vmem>>, %arg2: memref<8x16xf32, #tpu.memory_space<vmem>>, %arg3: memref<1x16xf32, #tpu.memory_space<vmem>>, %arg4: memref<8x16xf32, #tpu.memory_space<vmem>>, %arg5: memref<16x32xf32, #tpu.memory_space<vmem>>, %arg6: memref<1x32xf32, #tpu.memory_space<vmem>>, %arg7: memref<32x1xf32, #tpu.memory_space<vmem>>, %arg8: memref<1x1xf32, #tpu.memory_space<vmem>>, %arg9: memref<10016x1xf32, #tpu.memory_space<vmem>>) attributes {dimension_semantics = [], scalar_prefetch = 0 : i64, scratch_operands = 0 : i64, tpu.core_type = #tpu.core_type<tc>} {
    %get3A = arith.constant 0 : index
    %get3A_0 = arith.constant 0 : index
    %get3A_1 = arith.constant 0 : index
    %get3A_2 = vector.load %arg0[%get3A, %get3A_0, %get3A_1] : memref<2x10240x8xf32, #tpu.memory_space<vmem>>, vector<1x10016x8xf32>
    %get3A_3 = vector.shape_cast %get3A_2 : vector<1x10016x8xf32> to vector<10016x8xf32>
    %get3A_4 = arith.constant 1 : index
    %get3A_5 = arith.constant 0 : index
    %get3A_6 = arith.constant 0 : index
    %get3A_7 = vector.load %arg0[%get3A_4, %get3A_5, %get3A_6] : memref<2x10240x8xf32, #tpu.memory_space<vmem>>, vector<1x10016x8xf32>
    %get3A_8 = vector.shape_cast %get3A_7 : vector<1x10016x8xf32> to vector<10016x8xf32>
    %add3A = arith.addf %get3A_3, %get3A_8 : vector<10016x8xf32>
    %get3A_9 = arith.constant 0 : index
    %get3A_10 = arith.constant 0 : index
    %get3A_11 = vector.load %arg2[%get3A_9, %get3A_10] : memref<8x16xf32, #tpu.memory_space<vmem>>, vector<8x16xf32>
    %dot_general3A = arith.constant dense<0.000000e+00> : vector<10016x16xf32>
    %dot_general3A_12 = tpu.matmul %add3A, %get3A_11, %dot_general3A {dimension_numbers = #tpu.dot_dimension_numbers<[1], [0], [0], [1], [0, 0, 1, 1], [], []>, transpose_lhs_hint = false} : vector<10016x8xf32>, vector<8x16xf32>, vector<10016x16xf32> -> vector<10016x16xf32>
    %get3A_13 = arith.constant 0 : index
    %get3A_14 = arith.constant 0 : index
    %get3A_15 = vector.load %arg3[%get3A_13, %get3A_14] : memref<1x16xf32, #tpu.memory_space<vmem>>, vector<1x16xf32>
    %add3A_16 = vector.broadcast %get3A_15 : vector<1x16xf32> to vector<10016x16xf32>
    %add3A_17 = arith.addf %dot_general3A_12, %add3A_16 : vector<10016x16xf32>
    %get3A_18 = arith.constant 0 : index
    %get3A_19 = arith.constant 0 : index
    %get3A_20 = vector.load %arg1[%get3A_18, %get3A_19] : memref<10016x8xf32, #tpu.memory_space<vmem>>, vector<10016x8xf32>
    %get3A_21 = arith.constant 0 : index
    %get3A_22 = arith.constant 0 : index
    %get3A_23 = vector.load %arg4[%get3A_21, %get3A_22] : memref<8x16xf32, #tpu.memory_space<vmem>>, vector<8x16xf32>
    %dot_general3A_24 = arith.constant dense<0.000000e+00> : vector<10016x16xf32>
    %dot_general3A_25 = tpu.matmul %get3A_20, %get3A_23, %dot_general3A_24 {dimension_numbers = #tpu.dot_dimension_numbers<[1], [0], [0], [1], [0, 0, 1, 1], [], []>, transpose_lhs_hint = false} : vector<10016x8xf32>, vector<8x16xf32>, vector<10016x16xf32> -> vector<10016x16xf32>
    %add3A_26 = arith.addf %add3A_17, %dot_general3A_25 : vector<10016x16xf32>
    %max3A = arith.constant 0.000000e+00 : f32
    %max3A_27 = vector.broadcast %max3A : f32 to vector<10016x16xf32>
    %max3A_28 = arith.maximumf %add3A_26, %max3A_27 : vector<10016x16xf32>
    %get3A_29 = arith.constant 0 : index
    %get3A_30 = arith.constant 0 : index
    %get3A_31 = vector.load %arg5[%get3A_29, %get3A_30] : memref<16x32xf32, #tpu.memory_space<vmem>>, vector<16x32xf32>
    %dot_general3A_32 = arith.constant dense<0.000000e+00> : vector<10016x32xf32>
    %dot_general3A_33 = tpu.matmul %max3A_28, %get3A_31, %dot_general3A_32 {dimension_numbers = #tpu.dot_dimension_numbers<[1], [0], [0], [1], [0, 0, 1, 1], [], []>, transpose_lhs_hint = false} : vector<10016x16xf32>, vector<16x32xf32>, vector<10016x32xf32> -> vector<10016x32xf32>
    %get3A_34 = arith.constant 0 : index
    %get3A_35 = arith.constant 0 : index
    %get3A_36 = vector.load %arg6[%get3A_34, %get3A_35] : memref<1x32xf32, #tpu.memory_space<vmem>>, vector<1x32xf32>
    %add3A_37 = vector.broadcast %get3A_36 : vector<1x32xf32> to vector<10016x32xf32>
    %add3A_38 = arith.addf %dot_general3A_33, %add3A_37 : vector<10016x32xf32>
    %max3A_39 = arith.constant 0.000000e+00 : f32
    %max3A_40 = vector.broadcast %max3A_39 : f32 to vector<10016x32xf32>
    %max3A_41 = arith.maximumf %add3A_38, %max3A_40 : vector<10016x32xf32>
    %get3A_42 = arith.constant 0 : index
    %get3A_43 = arith.constant 0 : index
    %get3A_44 = vector.load %arg7[%get3A_42, %get3A_43] : memref<32x1xf32, #tpu.memory_space<vmem>>, vector<32x1xf32>
    %dot_general3A_45 = arith.constant dense<0.000000e+00> : vector<10016x1xf32>
    %dot_general3A_46 = tpu.matmul %max3A_41, %get3A_44, %dot_general3A_45 {dimension_numbers = #tpu.dot_dimension_numbers<[1], [0], [0], [1], [0, 0, 1, 1], [], []>, transpose_lhs_hint = false} : vector<10016x32xf32>, vector<32x1xf32>, vector<10016x1xf32> -> vector<10016x1xf32>
    %get3A_47 = arith.constant 0 : index
    %get3A_48 = arith.constant 0 : index
    %get3A_49 = vector.load %arg8[%get3A_47, %get3A_48] : memref<1x1xf32, #tpu.memory_space<vmem>>, vector<1x1xf32>
    %add3A_50 = vector.broadcast %get3A_49 : vector<1x1xf32> to vector<10016x1xf32>
    %add3A_51 = arith.addf %dot_general3A_46, %add3A_50 : vector<10016x1xf32>
    %iota3A = tpu.iota {dimensions = array<i32: 0>} : vector<10016x1xi32>
    %lt3A = arith.constant 10000 : i32
    %lt3A_52 = vector.broadcast %lt3A : i32 to vector<10016x1xi32>
    %lt3A_53 = arith.cmpi slt, %iota3A, %lt3A_52 : vector<10016x1xi32>
    %jit3A = arith.constant 0.000000e+00 : f32
    %broadcast_in_dim3A = vector.broadcast %jit3A : f32 to vector<10016x1xf32>
    %select_n3A = arith.select %lt3A_53, %add3A_51, %broadcast_in_dim3A : vector<10016x1xi1>, vector<10016x1xf32>
    %reduce_sum3A = vector.shape_cast %select_n3A : vector<10016x1xf32> to vector<1x10016x1xf32>
    %reduce_sum3A_54 = arith.constant dense<0.000000e+00> : vector<1xf32>
    %reduce_sum3A_55 = vector.multi_reduction <add>, %reduce_sum3A, %reduce_sum3A_54 [1, 2] : vector<1x10016x1xf32> to vector<1xf32>
    %reduce_sum3A_56 = vector.shape_cast %reduce_sum3A_55 : vector<1xf32> to vector<1x1x1xf32>
    %reduce_sum3A_57 = vector.extract %reduce_sum3A_56[0, 0, 0] : f32 from vector<1x1x1xf32>
    %mul3A = arith.constant 9.99999974E-5 : f32
    %mul3A_58 = arith.mulf %reduce_sum3A_57, %mul3A : f32
    %sub3A = vector.broadcast %mul3A_58 : f32 to vector<10016x1xf32>
    %sub3A_59 = arith.subf %add3A_51, %sub3A : vector<10016x1xf32>
    %swap3A = arith.constant 0 : index
    %swap3A_60 = arith.constant 0 : index
    %swap3A_61 = vector.load %arg9[%swap3A, %swap3A_60] : memref<10016x1xf32, #tpu.memory_space<vmem>>, vector<10016x1xf32>
    tpu.vector_store %arg9[%swap3A, %swap3A_60], %sub3A_59 {strides = array<i32>} : memref<10016x1xf32, #tpu.memory_space<vmem>>, vector<10016x1xf32>,
    return
  }
}

</mosaic_0001>

<sc_bundles>
// kernel: kernel.6.cloned.1.call-start
scs
__scs_entry_jumppad:
0x0: {  	(pc) =	sbr.rel $0x88, $3  }
0x1: {  	(tag) =	ssettag $0x0;
	lr =	simm.s32 $0x1  }
0x2: {  	[smem:$0x3F95] =	sst lr;
	_ =	strace $0xD0000000  }
0x3: {  	_ = 	snop  }
0x4: {  	_ = 	snop  }
0x5: {  	_ = 	snop  }
0x6: {  	_ = 	snop  }
0x7: {  	_ = 	snop  }
__scs_overlays_trampoline_lowered:
0x8: {  	[smem:$0x3FA4] =	sst s0  }
0x9: {  	[smem:$0x3FA5] =	sst s1  }
0xa: {  	[smem:$0x3FA6] =	sst s2  }
0xb: {  	[smem:$0x3FA7] =	sst s3  }
0xc: {  	[smem:$0x3FA8] =	sst s4  }
0xd: {  	[smem:$0x3FA9] =	sst s5  }
0xe: {  	[smem:$0x3FAA] =	sst s6  }
0xf: {  	[smem:$0x3FAB] =	sst s7  }
0x10: {  	[smem:$0x3FAC] =	sst s8  }
0x11: {  	[smem:$0x3FAD] =	sst s9;
	s0 =	simm.s32 @!p0 $0x0  }
0x12: {  	s1 =	sld [smem:$0x3F93];
	s0 =	simm.s32 @p0 $0x1  }
0x13: {  	[smem:$0x3FAE] =	sst s0;
	s0 =	simm.s32 @!p1 $0x0  }
0x14: {  	s2 =	sld [smem:$0x3F92];
	s0 =	simm.s32 @p1 $0x1  }
0x15: {  	[smem:$0x3FAF] =	sst s0;
	s0 =	simm.s32 @!p2 $0x0  }
0x16: {  	s3 =	sld [smem:$0x3FDB];
	s0 =	simm.s32 @p2 $0x1  }
0x17: {  	s4 =	simm.s32 $0x1BF5;
	[smem:$0x3FB1] =	sst s0  }
0x18: {  	s0 =	sld [smem:$0x3F94];
	_ =	swait.ge [sflag:s4], $0x0  }
0x19: {  	s7 =	sld [smem:$0x3F95]  }
0x1a: {  	s8 =	sadd.s32 $0xFFFFE003, lr  }
0x1b: {  	s9 =	sadd.s32 $0xFFFFFEF7, lr;
	s5 =	simm.s32 $0xFFFFFFFF;
	p2 =	slt.u32 s8, $0xFFFFF086  }
0x1c: {  	p1 =	slt.u32 s9, $0xF7A;
	s5 =	simm.s32 @!p2 $0x0  }
0x1d: {  	s5 =	simm.s32 @p1 $0x1;
	p0 =	seq.s32 s7, s2  }
0x1e: {  	s7 =	smul.u32 @!p0 $0xF7A, s2;
	p2 =	seq.s32 @!p0 s5, $0x0  }
0x1f: {  	s9 =	smul.u32 $0xF7A, s1;
	s8 =	simm.s32 @!p0 $0x1BF5;
	p2 =	por !p2, p0  }
0x20: {  	[sflag:s8] =	ssyncset.s32 @!p0 $0xFFFFF086;
	s6 =	sadd.s32 @!p0 s3, s7;
	s7 =	simm.s32 @!p0 $0x108  }
0x21: {  	s3 =	sadd.s32 s3, s9;
	s6 =	sadd.s32 @!p0 $0x88, s6;
	s7 =	simm.s32 @p2 $0x1082  }
0x22: {  	[simem:s7], [sflag:s8] =	dma.local @!p0 [hbm:s6], $0xF7A  }
0x23: {  	s9 =	sor.u32 $0xD0000000, s2;
	s6 =	simm.s32 $0x108;
	_ =	swait.ge @!p0 [sflag:s8], $0x0  }
0x24: {  	s3 =	sadd.s32 $0x88, s3;
	s6 =	simm.s32 @!p1 $0x1082;
	[sflag:s4] =	ssyncset.s32 $0xFFFFF086  }
0x25: {  	[simem:s6], [sflag:s4] =	dma.local [hbm:s3], $0xF7A  }
0x26: {  	[smem:$0x3F95] =	sst s1;
	(tag) =	ssettag s2;
	_ =	strace s9  }
0x27: {  	s1 =	sld [smem:$0x3FA5]  }
0x28: {  	s2 =	sld [smem:$0x3FA6]  }
0x29: {  	s4 =	sld [smem:$0x3FA8]  }
0x2a: {  	p0 =	seq.s32 s5, $0x0;
	s5 =	sld [smem:$0x3FA9]  }
0x2b: {  	s6 =	sld [smem:$0x3FAA]  }
0x2c: {  	s7 =	sld [smem:$0x3FAB]  }
0x2d: {  	s3 =	simm.s32 $0x108;
	s8 =	sld [smem:$0x3FAC]  }
0x2e: {  	s3 =	simm.s32 @!p0 $0x1082;
	s9 =	sld [smem:$0x3FAD]  }
0x2f: {  	lr =	sadd.s32 s0, s3;
	s0 =	sld [smem:$0x3FA4]  }
0x30: {  	s3 =	sld [smem:$0x3FA7]  }
0x31: {  	[smem:$0x3FB0] =	sst s10  }
0x32: {  	s10 =	sld [smem:$0x3FAE];
	_ =	sdelay $0x3  }
0x33: {  	p0 =	seq.s32 s10, $0x1;
	s10 =	sld [smem:$0x3FB0];
	_ =	sdelay $0x3  }
0x34: {  	[smem:$0x3FB0] =	sst s10  }
0x35: {  	s10 =	sld [smem:$0x3FAF];
	_ =	sdelay $0x3  }
0x36: {  	p1 =	seq.s32 s10, $0x1;
	s10 =	sld [smem:$0x3FB0];
	_ =	sdelay $0x3  }
0x37: {  	[smem:$0x3FB0] =	sst s10  }
0x38: {  	s10 =	sld [smem:$0x3FB1]  }
0x39: {  	_ = 	snop;
	(pc) =	sbr.ind lr, $3  }
0x3a: {  	_ = 	snop  }
0x3b: {  	_ = 	snop  }
0x3c: {  	p2 =	seq.s32 s10, $0x1;
	s10 =	sld [smem:$0x3FB0]  }
0x3d: {  	_ =	shalt  }
0x3e: {  	_ =	shalt  }
0x3f: {  	_ =	shalt  }
0x40: {  	_ =	shalt  }
0x41: {  	_ =	shalt  }
0x42: {  	_ =	shalt  }
0x43: {  	_ =	shalt  }
0x44: {  	_ =	shalt  }
0x45: {  	_ =	shalt  }
0x46: {  	_ =	shalt  }
0x47: {  	_ =	shalt  }
0x48: {  	_ =	shalt  }
0x49: {  	_ =	shalt  }
0x4a: {  	_ =	shalt  }
0x4b: {  	_ =	shalt  }
0x4c: {  	_ =	shalt  }
0x4d: {  	_ =	shalt  }
0x4e: {  	_ =	shalt  }
0x4f: {  	_ =	shalt  }
0x50: {  	_ =	shalt  }
0x51: {  	_ =	shalt  }
0x52: {  	_ =	shalt  }
0x53: {  	_ =	shalt  }
0x54: {  	_ =	shalt  }
0x55: {  	_ =	shalt  }
0x56: {  	_ =	shalt  }
0x57: {  	_ =	shalt  }
0x58: {  	_ =	shalt  }
0x59: {  	_ =	shalt  }
0x5a: {  	_ =	shalt  }
0x5b: {  	_ =	shalt  }
0x5c: {  	_ =	shalt  }
0x5d: {  	_ =	shalt  }
0x5e: {  	_ =	shalt  }
0x5f: {  	_ =	shalt  }
0x60: {  	_ =	shalt  }
0x61: {  	_ =	shalt  }
0x62: {  	_ =	shalt  }
0x63: {  	_ =	shalt  }
0x64: {  	_ =	shalt  }
0x65: {  	_ =	shalt  }
0x66: {  	_ =	shalt  }
0x67: {  	_ =	shalt  }
0x68: {  	_ =	shalt  }
0x69: {  	_ =	shalt  }
0x6a: {  	_ =	shalt  }
0x6b: {  	_ =	shalt  }
0x6c: {  	_ =	shalt  }
0x6d: {  	_ =	shalt  }
0x6e: {  	_ =	shalt  }
0x6f: {  	_ =	shalt  }
0x70: {  	_ =	shalt  }
0x71: {  	_ =	shalt  }
0x72: {  	_ =	shalt  }
0x73: {  	_ =	shalt  }
0x74: {  	_ =	shalt  }
0x75: {  	_ =	shalt  }
0x76: {  	_ =	shalt  }
0x77: {  	_ =	shalt  }
0x78: {  	_ =	shalt  }
0x79: {  	_ =	shalt  }
0x7a: {  	_ =	shalt  }
0x7b: {  	_ =	shalt  }
0x7c: {  	_ =	shalt  }
0x7d: {  	_ =	shalt  }
0x7e: {  	_ =	shalt  }
0x7f: {  	_ =	shalt  }
0x80: {  	_ =	shalt  }
0x81: {  	_ =	shalt  }
0x82: {  	_ =	shalt  }
0x83: {  	_ =	shalt  }
0x84: {  	_ =	shalt  }
0x85: {  	_ =	shalt  }
0x86: {  	_ =	shalt  }
0x87: {  	_ =	shalt  }
.Lfunc_end0:
.L_simem_size_0:
called_computation_lowered:
.L_overlay_start_0:
0x88: {  	s2 =	sld [smem:$0x3FD9]  }
0x89: {  	s3 =	sld [smem:$0x3FFE];
	_ =	sdelay $0x1  }
0x8a: {  	s1 =	srdreg.scid  }
0x8b: {  	s0 =	sand.u32 $0x1, s1  }
0x8c: {  	s16 =	sshll.u32 s0, $0xA;
	s2 =	sadd.s32 s3, s2  }
0x8d: {  	s2 =	sadd.s32 s2, s16  }
0x8e: {  	[smem:$0x3FBC] =	sst s2  }
0x8f: {  	_ = 	snop  }
0x90: {  	(tm) =	ssettm $0x1  }
0x91: {  	s17 =	sld [smem:$0x3FFB];
	_ =	sdelay $0x3  }
0x92: {  	_ =	strace s17  }
0x93: {  	s2 =	sld [smem:$0x3FFC];
	_ =	sdelay $0x3  }
0x94: {  	_ =	strace s2  }
0x95: {  	s2 =	sld [smem:$0x3FFD];
	_ =	sdelay $0x3  }
0x96: {  	_ =	strace s2  }
0x97: {  	_ =	strace $0x8FFFFFFF  }
0x98: {  	s18 =	sld [smem:$0x3FDB];
	_ =	sdelay $0x1  }
0x99: {  	s19 =	simm.s32 $_scs_section_size  }
0x9a: {  	s4 =	simm.s32 $_size__tile_overlayer_lowered;
	s5 =	simm.s32 $_tile_overlayer_lowered  }
0x9b: {  	s22 =	simm.s32 $0x1BFF;
	s21 =	sshll.u32 s5, $0x1;
	s2 =	sadd.s32 s19, s18  }
0x9c: {  	s6 =	simm.s32 $0x0;
	s20 =	sshll.u32 s4, $0x1;
	s4 =	sadd.s32 s21, s2  }
0x9d: {  	[timem:s6], [sflag:s22] =	dma.local [hbm:s4], s20  }
0x9e: {  	_ =	swait.ge [sflag:s22], s20  }
0x9f: {  	s3 =	ssub.s32 $0x0, s20;
	[sflag:s22] =	ssyncset.done $0x0  }
0xa0: {  	[sflag:s22] =	ssyncadd.s32 s3;
	_ =	sdelay $0x1  }
0xa1: {  	s23 =	simm.s32 $0x1B8B  }
0xa2: {  	_ =	swait.ge [sflag:s23], $0x1  }
0xa3: {  	[sflag:s23] =	ssyncset.done $0x0  }
0xa4: {  	s25 =	simm.s32 $0x1B8E;
	s24 =	sld [smem:$0x3FFE];
	[sflag:s23] =	ssyncadd.s32 $0xFFFFFFFF  }
0xa5: {  	s26 =	simm.s32 $execute0_lowered;
	[smem:$0x3FD2] =	sst s25  }
0xa6: {  	s4 =	sshll.u32 s26, $0x1;
	_ =	strace $0x80000046;
	[dreg:$0x1] =	wrdreg $0xFFFFFFFF  }
0xa7: {  	s28 =	simm.s32 $_size_execute0_lowered;
	s2 =	sadd.s32 s2, s4;
	[dreg:$0x0] =	wrdreg $0x0  }
0xa8: {  	s4 =	sshll.u32 s28, $0x1;
	[dreg:$0x2] =	wrdreg s2  }
0xa9: {  	[dreg:$0x3] =	wrdreg s4  }
0xaa: {  	[dreg:$0x4] =	wrdreg $0xC0  }
0xab: {  	_ =	task [dreg:s6], $0x5FFFF  }
0xac: {  	[dreg:$0x1] =	wrdreg $0xFFFFFFFF  }
0xad: {  	[dreg:$0x0] =	wrdreg $0x60  }
0xae: {  	[dreg:$0x2] =	wrdreg s24  }
0xaf: {  	[dreg:$0x3] =	wrdreg $0x50000  }
0xb0: {  	[dreg:$0x4] =	wrdreg $0xEC800  }
0xb1: {  	[dreg:$0x5] =	wrdreg $0x9  }
0xb2: {  	_ =	task.clear_ibuf [dreg:s6], $0x6FFFF;
	_ =	strace $0x90000046  }
0xb3: {  	s29 =	simm.s32 $0x9;
	_ =	strace $0x80000048  }
0xb4: {  	_ =	swait.ge [sflag:s29], $0x1  }
0xb5: {  	[sflag:s29] =	ssyncadd.s32 $0xFFFFFFFF  }
0xb6: {  	_ =	strace $0x90000048  }
0xb7: {  	_ =	sfence  }
0xb8: {  	s30 =	sld [smem:$0x0];
	_ =	sdelay $0x2  }
0xb9: {  	s31 =	sshll.u32 s1, $0xD;
	s1 =	sshrl.u32 s1, $0x2  }
0xba: {  	s3 =	sand.u32 $0x4000, s31;
	s1 =	sadd.s32 s1, s30  }
0xbb: {  	s0 =	sor.u32 s3, s0;
	s1 =	sshll.u32 s1, $0x11  }
0xbc: {  	s0 =	sor.u32 s1, s0  }
0xbd: {  	s0 =	sadd.s32 $0x8F2B, s0  }
0xbe: {  	[sflag:s0] =	ssyncadd.remote.s32 $0x1  }
0xbf: {  	_ =	sfence.sel $0xFFFF  }
0xc0: {  	[dreg:$0x0] =	wrdreg $0xFFFFFFFF;
	(pc) =	sbr.abs _section_cstart, $3  }
0xc1: {  	[dreg:$0x1] =	wrdreg $0xFFFFFFFF  }
0xc2: {  	_ =	task.clear_ibuf [dreg:s6], $0x2FFFF;
	_ =	strace $0x9FFFFFFF  }
0xc3: {  	(tm) =	ssettm $0x7FFFFFFF  }
tec
execute0_lowered:
.L_overlay_start_1:
0x0: {  	(tag) =	ssettag $0x1  }
0x1: {  	s0 =	rddreg [dreg:$0x0]  }
0x2: {  	s2 =	rddreg [dreg:$0x1]  }
0x3: {  	s3 =	rddreg [dreg:$0x2]  }
0x4: {  	s14 =	stileid.u32;
	s5 =	srdreg.scid;
	s4 =	simm.s32 $0x0  }
0x5: {  	s16 =	simm.s32 $0x5;
	s28 =	simm.s32 $0x2;
	s29 =	simm.s32 $0x3  }
0x6: {  	s30 =	simm.s32 $0x4;
	s31 =	simm.s32 $0xF00;
	s1 =	smul.u32 $0x9C80, s14  }
0x7: {  	s7 =	smul.u32 $0xA000, s14;
	s8 =	sand.u32 $0x1, s5;
	[smem:$0x7FF] =	sst s4  }
0x8: {  	s10 =	smul.u32 $0x14000, s14;
	s5 =	sadd.s32 $0x33C00, s0;
	s6 =	sadd.s32 $0x29C00, s0  }
0x9: {  	s19 =	sshll.u32 s14, $0x1;
	s21 =	sshll.u32 s14, $0x6;
	s9 =	smul.u32 $0x140000, s8  }
0xa: {  	_ =	strace $0x80000047;
	s18 =	ssub.s32 $0x2, s8;
	s20 =	sor.u32 s8, s19  }
0xb: {  	s8 =	sor.u32 $0x1C05, s21;
	s19 =	simm.s32 $0x40;
	s21 =	simm.s32 $0x2000  }
0xc: {  	s17 =	sshrl.u32 s1, $0x3;
	s12 =	sshrl.u32 s7, $0x3;
	s13 =	sshrl.u32 s18, $0x1  }
0xd: {  	s1 =	sadd.s32 s1, s2;
	s7 =	sadd.s32 s7, s3;
	s11 =	sadd.s32 s17, s0  }
0xe: {  	s9 =	sadd.s32 s10, s9;
	s12 =	sadd.s32 s12, s0;
	s13 =	ssub.s32 s18, s13  }
0xf: {  	s10 =	smul.u32 $0x2800, s20;
	s15 =	sshrl.u32 s1, $0x3;
	s17 =	sshrl.u32 s7, $0x3  }
0x10: {  	s18 =	simm.s32 $0x800;
	s20 =	simm.s32 $0x1000;
	s22 =	sadd.s32 $0x2A00, s11  }
0x11: {  	s1 =	simm.s32 $0xF80;
	s23 =	sadd.s32 $0x3DC00, s12;
	[dreg:$0x4] =	wrdreg s22  }
0x12: {  	s7 =	simm.s32 $0xFC0;
	s25 =	sadd.s32 $0x16300, s11;
	[dreg:$0x5] =	wrdreg s23  }
0x13: {  	s9 =	sshrl.u32 s9, $0x3;
	s26 =	smax.u32 s13, $0x1;
	[dreg:$0x7] =	wrdreg s25  }
0x14: {  	s0 =	sadd.s32 s9, s0;
	[dreg:$0x9] =	wrdreg s26;
	s22 =	simm.s32 $0x80  }
0x15: {  	s23 =	simm.s32 $0x3000;
	s25 =	simm.s32 $0x4000;
	s24 =	sadd.s32 $0x51C00, s0  }
0x16: {  	s26 =	simm.s32 $0x1;
	s0 =	sadd.s32 $0x51C08, s0;
	[dreg:$0x6] =	wrdreg s24  }
0x17: {  	[dreg:$0x8] =	wrdreg s0;
	s24 =	simm.s32 $0xC0;
	s0 =	simm.s32 $0xF40  }
.LBB2_1:
0x18: {  	s9 =	rddreg [dreg:$0x4]  }
0x19: {  	[spmem:s15], [sflag:s8] =	dma.local [hbm:s9], $0x1390  }
0x1a: {  	_ =	swait.ge [sflag:s16], $0x1390  }
0x1b: {  	[sflag:s16] =	ssyncset.done $0x0  }
0x1c: {  	s14 =	rddreg [dreg:$0x5];
	[sflag:s16] =	ssyncadd.s32 $0xFFFFEC70  }
0x1d: {  	[spmem:s17], [sflag:s8] =	dma.local [hbm:s14], $0x1400  }
0x1e: {  	_ =	swait.ge [sflag:s16], $0x1400  }
0x1f: {  	[sflag:s16] =	ssyncset.done $0x0  }
0x20: {  	[sflag:s16] =	ssyncadd.s32 $0xFFFFEC00  }
0x21: {  	s13 =	simm.s32 $0x0;
	[bflag:$0x0] =	sbarrier.arrive $0xFFFF  }
.LBB2_2:
0x22: {  	s11 =	sshll.u32 s13, $0xB  }
0x23: {  	s11 =	sadd.s32 s10, s11  }
0x24: {  	s11 =	sshrl.u32 s11, $0x3  }
0x25: {  	s14 =	simm.s32 $0x0;
	s12 =	sadd.s32 s5, s11  }
0x26: {  	[tilespmem:s14], [sflag:$0x5] =	stream.linear.gather [hbm4b:s12+s14], $0x800, $0x38;
	[tilespmem:$0x18C80] =	vst v63  }
0x27: {  	_ =	swait.ge [sflag:s16], $0x800  }
0x28: {  	[sflag:s16] =	ssyncset.done $0x0  }
0x29: {  	s11 =	sadd.s32 s6, s11;
	[sflag:s16] =	ssyncadd.s32 $0xFFFFF800  }
0x2a: {  	[tilespmem:s18], [sflag:$0x5] =	stream.linear.gather [hbm4b:s11+s14], $0x800, $0x38;
	[tilespmem:$0x18C80] =	vst v63  }
0x2b: {  	_ =	swait.ge [sflag:s16], $0x800  }
0x2c: {  	[sflag:s16] =	ssyncset.done $0x0  }
0x2d: {  	[sflag:s16] =	ssyncadd.s32 $0xFFFFF800  }
0x2e: {  	[tilespmem:s20], [sflag:$0x1] =	stream.indirect.gather [spmem:s2], $0x40, s14, s19, $0xb8;
	[tilespmem:$0x18C80] =	vst v63  }
0x2f: {  	_ = 	snop  }
0x30: {  	[tilespmem:s21], [sflag:$0x2] =	stream.indirect.gather [spmem:s2], $0x40, s19, s19, $0xb8;
	[tilespmem:$0x18C80] =	vst v63  }
0x31: {  	_ = 	snop  }
0x32: {  	[tilespmem:s23], [sflag:$0x3] =	stream.indirect.gather [spmem:s2], $0x40, s22, s19, $0xb8;
	[tilespmem:$0x18C80] =	vst v63  }
0x33: {  	_ = 	snop  }
0x34: {  	[tilespmem:s25], [sflag:$0x4] =	stream.indirect.gather [spmem:s2], $0x40, s24, s19, $0xb8;
	[tilespmem:$0x18C80] =	vst v63  }
0x35: {  	_ =	swait.ge [sflag:s26], $0x1000  }
0x36: {  	[sflag:s26] =	ssyncset.done $0x0  }
0x37: {  	s14 =	simm.s32 $0x800;
	[sflag:s26] =	ssyncadd.s32 $0xFFFFF000  }
0x38: {  	[spmem:s3] =	stream.indirect.scatter.add.f32 [tilespmem:s20], [sflag:$0x5], $0x40, s14, s19, $0xb8;
	[tilespmem:$0x18C80] =	vst v63  }
0x39: {  	_ =	swait.ge [sflag:s16], $0x1000  }
0x3a: {  	[sflag:s16] =	ssyncset.done $0x0  }
0x3b: {  	s9 =	simm.s32 $0x100;
	[sflag:s16] =	ssyncadd.s32 $0xFFFFF000  }
0x3c: {  	[tilespmem:s20], [sflag:$0x1] =	stream.indirect.gather [spmem:s2], $0x40, s9, s19, $0xb8;
	[tilespmem:$0x18C80] =	vst v63  }
0x3d: {  	_ =	swait.ge [sflag:s28], $0x1000  }
0x3e: {  	[sflag:s28] =	ssyncset.done $0x0  }
0x3f: {  	s12 =	simm.s32 $0x840;
	[sflag:s28] =	ssyncadd.s32 $0xFFFFF000  }
0x40: {  	[spmem:s3] =	stream.indirect.scatter.add.f32 [tilespmem:s21], [sflag:$0x5], $0x40, s12, s19, $0xb8;
	[tilespmem:$0x18C80] =	vst v63  }
0x41: {  	_ =	swait.ge [sflag:s16], $0x1000  }
0x42: {  	[sflag:s16] =	ssyncset.done $0x0  }
0x43: {  	s14 =	simm.s32 $0x140;
	[sflag:s16] =	ssyncadd.s32 $0xFFFFF000  }
0x44: {  	[tilespmem:s21], [sflag:$0x2] =	stream.indirect.gather [spmem:s2], $0x40, s14, s19, $0xb8;
	[tilespmem:$0x18C80] =	vst v63  }
0x45: {  	_ =	swait.ge [sflag:s29], $0x1000  }
0x46: {  	[sflag:s29] =	ssyncset.done $0x0  }
0x47: {  	s9 =	simm.s32 $0x880;
	[sflag:s29] =	ssyncadd.s32 $0xFFFFF000  }
0x48: {  	[spmem:s3] =	stream.indirect.scatter.add.f32 [tilespmem:s23], [sflag:$0x5], $0x40, s9, s19, $0xb8;
	[tilespmem:$0x18C80] =	vst v63  }
0x49: {  	_ =	swait.ge [sflag:s16], $0x1000  }
0x4a: {  	[sflag:s16] =	ssyncset.done $0x0  }
0x4b: {  	s12 =	simm.s32 $0x180;
	[sflag:s16] =	ssyncadd.s32 $0xFFFFF000  }
0x4c: {  	[tilespmem:s23], [sflag:$0x3] =	stream.indirect.gather [spmem:s2], $0x40, s12, s19, $0xb8;
	[tilespmem:$0x18C80] =	vst v63  }
0x4d: {  	_ =	swait.ge [sflag:s30], $0x1000  }
0x4e: {  	[sflag:s30] =	ssyncset.done $0x0  }
0x4f: {  	s14 =	simm.s32 $0x8C0;
	[sflag:s30] =	ssyncadd.s32 $0xFFFFF000  }
0x50: {  	[spmem:s3] =	stream.indirect.scatter.add.f32 [tilespmem:s25], [sflag:$0x5], $0x40, s14, s19, $0xb8;
	[tilespmem:$0x18C80] =	vst v63  }
0x51: {  	_ =	swait.ge [sflag:s16], $0x1000  }
0x52: {  	[sflag:s16] =	ssyncset.done $0x0  }
0x53: {  	s11 =	simm.s32 $0x1C0;
	s14 =	simm.s32 $0x400;
	[sflag:s16] =	ssyncadd.s32 $0xFFFFF000  }
.LBB2_3:
0x54: {  	[tilespmem:s25], [sflag:$0x4] =	stream.indirect.gather [spmem:s2], $0x40, s11, s19, $0xb8;
	[tilespmem:$0x18C80] =	vst v63  }
0x55: {  	s11 =	smov.u32 s14  }
0x56: {  	p0 =	sne.s32 s14, $0x1800;
	s14 =	sadd.s32 $0x400, s14;
	_ =	swait.ge [sflag:s26], $0x1000  }
0x57: {  	s11 =	sshra.s32 s11, $0x2;
	[sflag:s26] =	ssyncset.done $0x0  }
0x58: {  	s12 =	sadd.s32 $0x800, s11;
	[sflag:s26] =	ssyncadd.s32 $0xFFFFF000  }
0x59: {  	[spmem:s3] =	stream.indirect.scatter.add.f32 [tilespmem:s20], [sflag:$0x5], $0x40, s12, s19, $0xb8;
	[tilespmem:$0x18C80] =	vst v63  }
0x5a: {  	_ =	swait.ge [sflag:s16], $0x1000  }
0x5b: {  	[sflag:s16] =	ssyncset.done $0x0  }
0x5c: {  	s12 =	sadd.s32 $0x100, s11;
	[sflag:s16] =	ssyncadd.s32 $0xFFFFF000  }
0x5d: {  	[tilespmem:s20], [sflag:$0x1] =	stream.indirect.gather [spmem:s2], $0x40, s12, s19, $0xb8;
	[tilespmem:$0x18C80] =	vst v63  }
0x5e: {  	_ =	swait.ge [sflag:s28], $0x1000  }
0x5f: {  	[sflag:s28] =	ssyncset.done $0x0  }
0x60: {  	s12 =	sadd.s32 $0x840, s11;
	[sflag:s28] =	ssyncadd.s32 $0xFFFFF000  }
0x61: {  	[spmem:s3] =	stream.indirect.scatter.add.f32 [tilespmem:s21], [sflag:$0x5], $0x40, s12, s19, $0xb8;
	[tilespmem:$0x18C80] =	vst v63  }
0x62: {  	_ =	swait.ge [sflag:s16], $0x1000  }
0x63: {  	[sflag:s16] =	ssyncset.done $0x0  }
0x64: {  	s12 =	sadd.s32 $0x140, s11;
	[sflag:s16] =	ssyncadd.s32 $0xFFFFF000  }
0x65: {  	[tilespmem:s21], [sflag:$0x2] =	stream.indirect.gather [spmem:s2], $0x40, s12, s19, $0xb8;
	[tilespmem:$0x18C80] =	vst v63  }
0x66: {  	_ =	swait.ge [sflag:s29], $0x1000  }
0x67: {  	[sflag:s29] =	ssyncset.done $0x0  }
0x68: {  	s12 =	sadd.s32 $0x880, s11;
	[sflag:s29] =	ssyncadd.s32 $0xFFFFF000  }
0x69: {  	[spmem:s3] =	stream.indirect.scatter.add.f32 [tilespmem:s23], [sflag:$0x5], $0x40, s12, s19, $0xb8;
	[tilespmem:$0x18C80] =	vst v63  }
0x6a: {  	_ =	swait.ge [sflag:s16], $0x1000  }
0x6b: {  	[sflag:s16] =	ssyncset.done $0x0  }
0x6c: {  	s12 =	sadd.s32 $0x180, s11;
	[sflag:s16] =	ssyncadd.s32 $0xFFFFF000  }
0x6d: {  	[tilespmem:s23], [sflag:$0x3] =	stream.indirect.gather [spmem:s2], $0x40, s12, s19, $0xb8;
	[tilespmem:$0x18C80] =	vst v63  }
0x6e: {  	_ =	swait.ge [sflag:s30], $0x1000  }
0x6f: {  	[sflag:s30] =	ssyncset.done $0x0  }
.Ltmp0:
0x70: {  	s12 =	sadd.s32 $0x8C0, s11;
	[sflag:s30] =	ssyncadd.s32 $0xFFFFF000;
	(pc) =	sbr.rel @p0 .LBB2_3-.Ltmp0, $4  }
0x71: {  	[spmem:s3] =	stream.indirect.scatter.add.f32 [tilespmem:s25], [sflag:$0x5], $0x40, s12, s19, $0xb8;
	[tilespmem:$0x18C80] =	vst v63  }
0x72: {  	_ =	swait.ge [sflag:s16], $0x1000  }
0x73: {  	[sflag:s16] =	ssyncset.done $0x0  }
0x74: {  	s11 =	sadd.s32 $0x1C0, s11;
	[sflag:s16] =	ssyncadd.s32 $0xFFFFF000  }
0x75: {  	[tilespmem:s25], [sflag:$0x4] =	stream.indirect.gather [spmem:s2], $0x40, s11, s19, $0xb8;
	[tilespmem:$0x18C80] =	vst v63  }
0x76: {  	_ =	swait.ge [sflag:s26], $0x1000  }
0x77: {  	[sflag:s26] =	ssyncset.done $0x0  }
0x78: {  	[sflag:s26] =	ssyncadd.s32 $0xFFFFF000  }
0x79: {  	[spmem:s3] =	stream.indirect.scatter.add.f32 [tilespmem:s20], [sflag:$0x5], $0x40, s31, s19, $0xb8;
	[tilespmem:$0x18C80] =	vst v63  }
0x7a: {  	_ =	swait.ge [sflag:s16], $0x1000  }
0x7b: {  	[sflag:s16] =	ssyncset.done $0x0  }
0x7c: {  	[sflag:s16] =	ssyncadd.s32 $0xFFFFF000  }
0x7d: {  	_ =	swait.ge [sflag:s28], $0x1000  }
0x7e: {  	[sflag:s28] =	ssyncset.done $0x0  }
0x7f: {  	[sflag:s28] =	ssyncadd.s32 $0xFFFFF000  }
0x80: {  	[spmem:s3] =	stream.indirect.scatter.add.f32 [tilespmem:s21], [sflag:$0x5], $0x40, s0, s19, $0xb8;
	[tilespmem:$0x18C80] =	vst v63  }
0x81: {  	_ =	swait.ge [sflag:s16], $0x1000  }
0x82: {  	[sflag:s16] =	ssyncset.done $0x0  }
0x83: {  	[sflag:s16] =	ssyncadd.s32 $0xFFFFF000  }
0x84: {  	_ =	swait.ge [sflag:s29], $0x1000  }
0x85: {  	[sflag:s29] =	ssyncset.done $0x0  }
0x86: {  	[sflag:s29] =	ssyncadd.s32 $0xFFFFF000  }
0x87: {  	[spmem:s3] =	stream.indirect.scatter.add.f32 [tilespmem:s23], [sflag:$0x5], $0x40, s1, s19, $0xb8;
	[tilespmem:$0x18C80] =	vst v63  }
0x88: {  	_ =	swait.ge [sflag:s16], $0x1000  }
0x89: {  	[sflag:s16] =	ssyncset.done $0x0  }
0x8a: {  	[sflag:s16] =	ssyncadd.s32 $0xFFFFF000  }
0x8b: {  	s13 =	sadd.s32 $0x1, s13;
	_ =	swait.ge [sflag:s30], $0x1000  }
0x8c: {  	p0 =	sne.s32 s13, $0x5;
	[sflag:s30] =	ssyncset.done $0x0  }
.Ltmp1:
0x8d: {  	[sflag:s30] =	ssyncadd.s32 $0xFFFFF000;
	(pc) =	sbr.rel @p0 .LBB2_2-.Ltmp1, $4  }
0x8e: {  	[spmem:s3] =	stream.indirect.scatter.add.f32 [tilespmem:s25], [sflag:$0x5], $0x40, s7, s19, $0xb8;
	[tilespmem:$0x18C80] =	vst v63  }
0x8f: {  	_ =	swait.ge [sflag:s16], $0x1000  }
0x90: {  	[sflag:s16] =	ssyncset.done $0x0  }
0x91: {  	[sflag:s16] =	ssyncadd.s32 $0xFFFFF000  }
0x92: {  	[bflag:$0x0] =	sbarrier.arrive $0xFFFF  }
0x93: {  	s11 =	simm.s32 $0x10;
	s12 =	simm.s32 $0x8;
	s9 =	rddreg [dreg:$0x6]  }
0x94: {  	[hbm:s9@s11], [sflag:s8] =	dma.strided [spmem:s17@s12], $0x1400, s26, $0x8   }
0x95: {  	_ =	swait.ge [sflag:s16], $0x1400  }
0x96: {  	[sflag:s16] =	ssyncset.done $0x0  }
0x97: {  	s13 =	rddreg [dreg:$0x7];
	[sflag:s16] =	ssyncadd.s32 $0xFFFFEC00  }
0x98: {  	[spmem:s15], [sflag:s8] =	dma.local [hbm:s13], $0x1390  }
0x99: {  	_ =	swait.ge [sflag:s16], $0x1390  }
0x9a: {  	[sflag:s16] =	ssyncset.done $0x0  }
0x9b: {  	s14 =	rddreg [dreg:$0x5];
	[sflag:s16] =	ssyncadd.s32 $0xFFFFEC70  }
0x9c: {  	[spmem:s17], [sflag:s8] =	dma.local [hbm:s14], $0x1400  }
0x9d: {  	_ =	swait.ge [sflag:s16], $0x1400  }
0x9e: {  	[sflag:s16] =	ssyncset.done $0x0  }
0x9f: {  	[sflag:s16] =	ssyncadd.s32 $0xFFFFEC00  }
0xa0: {  	s13 =	simm.s32 $0x0;
	s14 =	simm.s32 $0x0;
	[bflag:$0x0] =	sbarrier.arrive $0xFFFF  }
.LBB2_6:
0xa1: {  	s11 =	sshll.u32 s14, $0xB  }
0xa2: {  	s11 =	sadd.s32 s10, s11  }
0xa3: {  	s11 =	sshrl.u32 s11, $0x3  }
0xa4: {  	s12 =	sadd.s32 s5, s11  }
0xa5: {  	[tilespmem:s13], [sflag:$0x5] =	stream.linear.gather [hbm4b:s12+s13], $0x800, $0x38;
	[tilespmem:$0x18C80] =	vst v63  }
0xa6: {  	_ =	swait.ge [sflag:s16], $0x800  }
0xa7: {  	[sflag:s16] =	ssyncset.done $0x0  }
0xa8: {  	s11 =	sadd.s32 s6, s11;
	[sflag:s16] =	ssyncadd.s32 $0xFFFFF800  }
0xa9: {  	[tilespmem:s18], [sflag:$0x5] =	stream.linear.gather [hbm4b:s11+s13], $0x800, $0x38;
	[tilespmem:$0x18C80] =	vst v63  }
0xaa: {  	_ =	swait.ge [sflag:s16], $0x800  }
0xab: {  	[sflag:s16] =	ssyncset.done $0x0  }
0xac: {  	[sflag:s16] =	ssyncadd.s32 $0xFFFFF800  }
0xad: {  	[tilespmem:s20], [sflag:$0x1] =	stream.indirect.gather [spmem:s2], $0x40, s13, s19, $0xb8;
	[tilespmem:$0x18C80] =	vst v63  }
0xae: {  	_ = 	snop  }
0xaf: {  	[tilespmem:s21], [sflag:$0x2] =	stream.indirect.gather [spmem:s2], $0x40, s19, s19, $0xb8;
	[tilespmem:$0x18C80] =	vst v63  }
0xb0: {  	_ = 	snop  }
0xb1: {  	[tilespmem:s23], [sflag:$0x3] =	stream.indirect.gather [spmem:s2], $0x40, s22, s19, $0xb8;
	[tilespmem:$0x18C80] =	vst v63  }
0xb2: {  	_ = 	snop  }
0xb3: {  	[tilespmem:s25], [sflag:$0x4] =	stream.indirect.gather [spmem:s2], $0x40, s24, s19, $0xb8;
	[tilespmem:$0x18C80] =	vst v63  }
0xb4: {  	_ =	swait.ge [sflag:s26], $0x1000  }
0xb5: {  	[sflag:s26] =	ssyncset.done $0x0  }
0xb6: {  	s12 =	simm.s32 $0x800;
	[sflag:s26] =	ssyncadd.s32 $0xFFFFF000  }
0xb7: {  	[spmem:s3] =	stream.indirect.scatter.add.f32 [tilespmem:s20], [sflag:$0x5], $0x40, s12, s19, $0xb8;
	[tilespmem:$0x18C80] =	vst v63  }
0xb8: {  	_ =	swait.ge [sflag:s16], $0x1000  }
0xb9: {  	[sflag:s16] =	ssyncset.done $0x0  }
0xba: {  	s9 =	simm.s32 $0x100;
	[sflag:s16] =	ssyncadd.s32 $0xFFFFF000  }
0xbb: {  	[tilespmem:s20], [sflag:$0x1] =	stream.indirect.gather [spmem:s2], $0x40, s9, s19, $0xb8;
	[tilespmem:$0x18C80] =	vst v63  }
0xbc: {  	_ =	swait.ge [sflag:s28], $0x1000  }
0xbd: {  	[sflag:s28] =	ssyncset.done $0x0  }
0xbe: {  	s12 =	simm.s32 $0x840;
	[sflag:s28] =	ssyncadd.s32 $0xFFFFF000  }
0xbf: {  	[spmem:s3] =	stream.indirect.scatter.add.f32 [tilespmem:s21], [sflag:$0x5], $0x40, s12, s19, $0xb8;
	[tilespmem:$0x18C80] =	vst v63  }
0xc0: {  	_ =	swait.ge [sflag:s16], $0x1000  }
0xc1: {  	[sflag:s16] =	ssyncset.done $0x0  }
0xc2: {  	s9 =	simm.s32 $0x140;
	[sflag:s16] =	ssyncadd.s32 $0xFFFFF000  }
0xc3: {  	[tilespmem:s21], [sflag:$0x2] =	stream.indirect.gather [spmem:s2], $0x40, s9, s19, $0xb8;
	[tilespmem:$0x18C80] =	vst v63  }
0xc4: {  	_ =	swait.ge [sflag:s29], $0x1000  }
0xc5: {  	[sflag:s29] =	ssyncset.done $0x0  }
0xc6: {  	s12 =	simm.s32 $0x880;
	[sflag:s29] =	ssyncadd.s32 $0xFFFFF000  }
0xc7: {  	[spmem:s3] =	stream.indirect.scatter.add.f32 [tilespmem:s23], [sflag:$0x5], $0x40, s12, s19, $0xb8;
	[tilespmem:$0x18C80] =	vst v63  }
0xc8: {  	_ =	swait.ge [sflag:s16], $0x1000  }
0xc9: {  	[sflag:s16] =	ssyncset.done $0x0  }
0xca: {  	s9 =	simm.s32 $0x180;
	[sflag:s16] =	ssyncadd.s32 $0xFFFFF000  }
0xcb: {  	[tilespmem:s23], [sflag:$0x3] =	stream.indirect.gather [spmem:s2], $0x40, s9, s19, $0xb8;
	[tilespmem:$0x18C80] =	vst v63  }
0xcc: {  	_ =	swait.ge [sflag:s30], $0x1000  }
0xcd: {  	[sflag:s30] =	ssyncset.done $0x0  }
0xce: {  	s12 =	simm.s32 $0x8C0;
	[sflag:s30] =	ssyncadd.s32 $0xFFFFF000  }
0xcf: {  	[spmem:s3] =	stream.indirect.scatter.add.f32 [tilespmem:s25], [sflag:$0x5], $0x40, s12, s19, $0xb8;
	[tilespmem:$0x18C80] =	vst v63  }
0xd0: {  	_ =	swait.ge [sflag:s16], $0x1000  }
0xd1: {  	[sflag:s16] =	ssyncset.done $0x0  }
0xd2: {  	s11 =	simm.s32 $0x400;
	s12 =	simm.s32 $0x1C0;
	[sflag:s16] =	ssyncadd.s32 $0xFFFFF000  }
.LBB2_7:
0xd3: {  	[tilespmem:s25], [sflag:$0x4] =	stream.indirect.gather [spmem:s2], $0x40, s12, s19, $0xb8;
	[tilespmem:$0x18C80] =	vst v63  }
0xd4: {  	s12 =	smov.u32 s11  }
0xd5: {  	p0 =	sne.s32 s11, $0x1800;
	s11 =	sadd.s32 $0x400, s11;
	_ =	swait.ge [sflag:s26], $0x1000  }
0xd6: {  	s12 =	sshra.s32 s12, $0x2;
	[sflag:s26] =	ssyncset.done $0x0  }
0xd7: {  	s9 =	sadd.s32 $0x800, s12;
	[sflag:s26] =	ssyncadd.s32 $0xFFFFF000  }
0xd8: {  	[spmem:s3] =	stream.indirect.scatter.add.f32 [tilespmem:s20], [sflag:$0x5], $0x40, s9, s19, $0xb8;
	[tilespmem:$0x18C80] =	vst v63  }
0xd9: {  	_ =	swait.ge [sflag:s16], $0x1000  }
0xda: {  	[sflag:s16] =	ssyncset.done $0x0  }
0xdb: {  	s9 =	sadd.s32 $0x100, s12;
	[sflag:s16] =	ssyncadd.s32 $0xFFFFF000  }
0xdc: {  	[tilespmem:s20], [sflag:$0x1] =	stream.indirect.gather [spmem:s2], $0x40, s9, s19, $0xb8;
	[tilespmem:$0x18C80] =	vst v63  }
0xdd: {  	_ =	swait.ge [sflag:s28], $0x1000  }
0xde: {  	[sflag:s28] =	ssyncset.done $0x0  }
0xdf: {  	s9 =	sadd.s32 $0x840, s12;
	[sflag:s28] =	ssyncadd.s32 $0xFFFFF000  }
0xe0: {  	[spmem:s3] =	stream.indirect.scatter.add.f32 [tilespmem:s21], [sflag:$0x5], $0x40, s9, s19, $0xb8;
	[tilespmem:$0x18C80] =	vst v63  }
0xe1: {  	_ =	swait.ge [sflag:s16], $0x1000  }
0xe2: {  	[sflag:s16] =	ssyncset.done $0x0  }
0xe3: {  	s9 =	sadd.s32 $0x140, s12;
	[sflag:s16] =	ssyncadd.s32 $0xFFFFF000  }
0xe4: {  	[tilespmem:s21], [sflag:$0x2] =	stream.indirect.gather [spmem:s2], $0x40, s9, s19, $0xb8;
	[tilespmem:$0x18C80] =	vst v63  }
0xe5: {  	_ =	swait.ge [sflag:s29], $0x1000  }
0xe6: {  	[sflag:s29] =	ssyncset.done $0x0  }
0xe7: {  	s9 =	sadd.s32 $0x880, s12;
	[sflag:s29] =	ssyncadd.s32 $0xFFFFF000  }
0xe8: {  	[spmem:s3] =	stream.indirect.scatter.add.f32 [tilespmem:s23], [sflag:$0x5], $0x40, s9, s19, $0xb8;
	[tilespmem:$0x18C80] =	vst v63  }
0xe9: {  	_ =	swait.ge [sflag:s16], $0x1000  }
0xea: {  	[sflag:s16] =	ssyncset.done $0x0  }
0xeb: {  	s9 =	sadd.s32 $0x180, s12;
	[sflag:s16] =	ssyncadd.s32 $0xFFFFF000  }
0xec: {  	[tilespmem:s23], [sflag:$0x3] =	stream.indirect.gather [spmem:s2], $0x40, s9, s19, $0xb8;
	[tilespmem:$0x18C80] =	vst v63  }
0xed: {  	_ =	swait.ge [sflag:s30], $0x1000  }
0xee: {  	[sflag:s30] =	ssyncset.done $0x0  }
.Ltmp2:
0xef: {  	s9 =	sadd.s32 $0x8C0, s12;
	[sflag:s30] =	ssyncadd.s32 $0xFFFFF000;
	(pc) =	sbr.rel @p0 .LBB2_7-.Ltmp2, $4  }
0xf0: {  	[spmem:s3] =	stream.indirect.scatter.add.f32 [tilespmem:s25], [sflag:$0x5], $0x40, s9, s19, $0xb8;
	[tilespmem:$0x18C80] =	vst v63  }
0xf1: {  	_ =	swait.ge [sflag:s16], $0x1000  }
0xf2: {  	[sflag:s16] =	ssyncset.done $0x0  }
0xf3: {  	s12 =	sadd.s32 $0x1C0, s12;
	[sflag:s16] =	ssyncadd.s32 $0xFFFFF000  }
0xf4: {  	[tilespmem:s25], [sflag:$0x4] =	stream.indirect.gather [spmem:s2], $0x40, s12, s19, $0xb8;
	[tilespmem:$0x18C80] =	vst v63  }
0xf5: {  	_ =	swait.ge [sflag:s26], $0x1000  }
0xf6: {  	[sflag:s26] =	ssyncset.done $0x0  }
0xf7: {  	[sflag:s26] =	ssyncadd.s32 $0xFFFFF000  }
0xf8: {  	[spmem:s3] =	stream.indirect.scatter.add.f32 [tilespmem:s20], [sflag:$0x5], $0x40, s31, s19, $0xb8;
	[tilespmem:$0x18C80] =	vst v63  }
0xf9: {  	_ =	swait.ge [sflag:s16], $0x1000  }
0xfa: {  	[sflag:s16] =	ssyncset.done $0x0  }
0xfb: {  	[sflag:s16] =	ssyncadd.s32 $0xFFFFF000  }
0xfc: {  	_ =	swait.ge [sflag:s28], $0x1000  }
0xfd: {  	[sflag:s28] =	ssyncset.done $0x0  }
0xfe: {  	[sflag:s28] =	ssyncadd.s32 $0xFFFFF000  }
0xff: {  	[spmem:s3] =	stream.indirect.scatter.add.f32 [tilespmem:s21], [sflag:$0x5], $0x40, s0, s19, $0xb8;
	[tilespmem:$0x18C80] =	vst v63  }
0x100: {  	_ =	swait.ge [sflag:s16], $0x1000  }
0x101: {  	[sflag:s16] =	ssyncset.done $0x0  }
0x102: {  	[sflag:s16] =	ssyncadd.s32 $0xFFFFF000  }
0x103: {  	_ =	swait.ge [sflag:s29], $0x1000  }
0x104: {  	[sflag:s29] =	ssyncset.done $0x0  }
0x105: {  	[sflag:s29] =	ssyncadd.s32 $0xFFFFF000  }
0x106: {  	[spmem:s3] =	stream.indirect.scatter.add.f32 [tilespmem:s23], [sflag:$0x5], $0x40, s1, s19, $0xb8;
	[tilespmem:$0x18C80] =	vst v63  }
0x107: {  	_ =	swait.ge [sflag:s16], $0x1000  }
0x108: {  	[sflag:s16] =	ssyncset.done $0x0  }
0x109: {  	[sflag:s16] =	ssyncadd.s32 $0xFFFFF000  }
0x10a: {  	s14 =	sadd.s32 $0x1, s14;
	_ =	swait.ge [sflag:s30], $0x1000  }
0x10b: {  	p0 =	sne.s32 s14, $0x5;
	[sflag:s30] =	ssyncset.done $0x0  }
.Ltmp3:
0x10c: {  	[sflag:s30] =	ssyncadd.s32 $0xFFFFF000;
	(pc) =	sbr.rel @p0 .LBB2_6-.Ltmp3, $4  }
0x10d: {  	[spmem:s3] =	stream.indirect.scatter.add.f32 [tilespmem:s25], [sflag:$0x5], $0x40, s7, s19, $0xb8;
	[tilespmem:$0x18C80] =	vst v63  }
0x10e: {  	_ =	swait.ge [sflag:s16], $0x1000  }
0x10f: {  	[sflag:s16] =	ssyncset.done $0x0  }
0x110: {  	[sflag:s16] =	ssyncadd.s32 $0xFFFFF000  }
0x111: {  	[bflag:$0x0] =	sbarrier.arrive $0xFFFF  }
0x112: {  	s11 =	simm.s32 $0x10;
	s12 =	simm.s32 $0x8;
	s9 =	rddreg [dreg:$0x8]  }
0x113: {  	[hbm:s9@s11], [sflag:s8] =	dma.strided [spmem:s17@s12], $0x1400, s26, $0x8   }
0x114: {  	_ =	swait.ge [sflag:s16], $0x1400  }
0x115: {  	s4 =	sadd.s32 $0x1, s4;
	s14 =	rddreg [dreg:$0x9]  }
0x116: {  	p0 =	sne.s32 s4, s14  }
.Ltmp4:
0x117: {  	_ = 	snop;
	(pc) =	sbr.rel @p0 .LBB2_1-.Ltmp4, $3  }
0x118: {  	_ =	sdelay $0x1  }
0x119: {  	[sflag:s16] =	ssyncset.done $0x0  }
0x11a: {  	[sflag:s16] =	ssyncadd.s32 $0xFFFFEC00  }
0x11b: {  	_ =	sfence.sel $0x180000  }
0x11c: {  	[bflag:$0x0] =	sbarrier.arrive $0xFFFF  }
0x11d: {  	_ =	strace $0x90000047  }
0x11e: {  	s0 =	stileid.u32;
	[bflag:$0x2] =	sbarrier.arrive $0xFFFF  }
0x11f: {  	p0 =	sne.s32 s0, $0x0;
	s0 =	rddreg [dreg:$0x3]  }
0x120: {  	s0 =	sadd.s32 @!p0 $0x100000, s0  }
0x121: {  	[sflag:s0] =	ssyncadd.tile.s32 @!p0 $0x1;
	_ =	shalt  }
.Lfunc_end2:
_tile_overlayer_lowered:
.L_overlay_start_2:
0x122: {  	(tag) =	ssettag $0x2  }
0x123: {  	s0 =	rddreg [dreg:$0x0];
	s2 =	stileid.u32  }
0x124: {  	s1 =	rddreg [dreg:$0x1];
	p0 =	sne.s32 s2, $0x0  }
0x125: {  	s3 =	rddreg [dreg:$0x2];
	[bflag:$0x3] =	sbarrier.arrive $0xFFFF;
	s2 =	simm.s32 @!p0 $0x1C05  }
0x126: {  	[timem:s3], [sflag:s2] =	dma.local @!p0 [hbm:s0], s1  }
0x127: {  	s0 =	simm.s32 @!p0 $0x5  }
0x128: {  	_ =	swait.ge @!p0 [sflag:s0], s1  }
0x129: {  	s1 =	ssub.s32 @!p0 $0x0, s1;
	[sflag:s0] =	ssyncset.done @!p0 $0x0  }
0x12a: {  	[sflag:s0] =	ssyncadd.s32 @!p0 s1  }
0x12b: {  	[bflag:$0x3] =	sbarrier.arrive $0xFFFF  }
0x12c: {  	_ =	shalt  }

// kernel: kernel.9.cloned.1.call-start
scs
__scs_entry_jumppad:
0x0: {  	(pc) =	sbr.rel $0x88, $3  }
0x1: {  	(tag) =	ssettag $0x0;
	lr =	simm.s32 $0x1  }
0x2: {  	[smem:$0x3F95] =	sst lr;
	_ =	strace $0xD0000000  }
0x3: {  	_ = 	snop  }
0x4: {  	_ = 	snop  }
0x5: {  	_ = 	snop  }
0x6: {  	_ = 	snop  }
0x7: {  	_ = 	snop  }
__scs_overlays_trampoline_lowered:
0x8: {  	[smem:$0x3FA4] =	sst s0  }
0x9: {  	[smem:$0x3FA5] =	sst s1  }
0xa: {  	[smem:$0x3FA6] =	sst s2  }
0xb: {  	[smem:$0x3FA7] =	sst s3  }
0xc: {  	[smem:$0x3FA8] =	sst s4  }
0xd: {  	[smem:$0x3FA9] =	sst s5  }
0xe: {  	[smem:$0x3FAA] =	sst s6  }
0xf: {  	[smem:$0x3FAB] =	sst s7  }
0x10: {  	[smem:$0x3FAC] =	sst s8  }
0x11: {  	[smem:$0x3FAD] =	sst s9;
	s0 =	simm.s32 @!p0 $0x0  }
0x12: {  	s1 =	sld [smem:$0x3F93];
	s0 =	simm.s32 @p0 $0x1  }
0x13: {  	[smem:$0x3FAE] =	sst s0;
	s0 =	simm.s32 @!p1 $0x0  }
0x14: {  	s2 =	sld [smem:$0x3F92];
	s0 =	simm.s32 @p1 $0x1  }
0x15: {  	[smem:$0x3FAF] =	sst s0;
	s0 =	simm.s32 @!p2 $0x0  }
0x16: {  	s3 =	sld [smem:$0x3FDB];
	s0 =	simm.s32 @p2 $0x1  }
0x17: {  	s4 =	simm.s32 $0x1BF5;
	[smem:$0x3FB1] =	sst s0  }
0x18: {  	s0 =	sld [smem:$0x3F94];
	_ =	swait.ge [sflag:s4], $0x0  }
0x19: {  	s7 =	sld [smem:$0x3F95]  }
0x1a: {  	s8 =	sadd.s32 $0xFFFFE003, lr  }
0x1b: {  	s9 =	sadd.s32 $0xFFFFFEF7, lr;
	s5 =	simm.s32 $0xFFFFFFFF;
	p2 =	slt.u32 s8, $0xFFFFF086  }
0x1c: {  	p1 =	slt.u32 s9, $0xF7A;
	s5 =	simm.s32 @!p2 $0x0  }
0x1d: {  	s5 =	simm.s32 @p1 $0x1;
	p0 =	seq.s32 s7, s2  }
0x1e: {  	s7 =	smul.u32 @!p0 $0xF7A, s2;
	p2 =	seq.s32 @!p0 s5, $0x0  }
0x1f: {  	s9 =	smul.u32 $0xF7A, s1;
	s8 =	simm.s32 @!p0 $0x1BF5;
	p2 =	por !p2, p0  }
0x20: {  	[sflag:s8] =	ssyncset.s32 @!p0 $0xFFFFF086;
	s6 =	sadd.s32 @!p0 s3, s7;
	s7 =	simm.s32 @!p0 $0x108  }
0x21: {  	s3 =	sadd.s32 s3, s9;
	s6 =	sadd.s32 @!p0 $0x88, s6;
	s7 =	simm.s32 @p2 $0x1082  }
0x22: {  	[simem:s7], [sflag:s8] =	dma.local @!p0 [hbm:s6], $0xF7A  }
0x23: {  	s9 =	sor.u32 $0xD0000000, s2;
	s6 =	simm.s32 $0x108;
	_ =	swait.ge @!p0 [sflag:s8], $0x0  }
0x24: {  	s3 =	sadd.s32 $0x88, s3;
	s6 =	simm.s32 @!p1 $0x1082;
	[sflag:s4] =	ssyncset.s32 $0xFFFFF086  }
0x25: {  	[simem:s6], [sflag:s4] =	dma.local [hbm:s3], $0xF7A  }
0x26: {  	[smem:$0x3F95] =	sst s1;
	(tag) =	ssettag s2;
	_ =	strace s9  }
0x27: {  	s1 =	sld [smem:$0x3FA5]  }
0x28: {  	s2 =	sld [smem:$0x3FA6]  }
0x29: {  	s4 =	sld [smem:$0x3FA8]  }
0x2a: {  	p0 =	seq.s32 s5, $0x0;
	s5 =	sld [smem:$0x3FA9]  }
0x2b: {  	s6 =	sld [smem:$0x3FAA]  }
0x2c: {  	s7 =	sld [smem:$0x3FAB]  }
0x2d: {  	s3 =	simm.s32 $0x108;
	s8 =	sld [smem:$0x3FAC]  }
0x2e: {  	s3 =	simm.s32 @!p0 $0x1082;
	s9 =	sld [smem:$0x3FAD]  }
0x2f: {  	lr =	sadd.s32 s0, s3;
	s0 =	sld [smem:$0x3FA4]  }
0x30: {  	s3 =	sld [smem:$0x3FA7]  }
0x31: {  	[smem:$0x3FB0] =	sst s10  }
0x32: {  	s10 =	sld [smem:$0x3FAE];
	_ =	sdelay $0x3  }
0x33: {  	p0 =	seq.s32 s10, $0x1;
	s10 =	sld [smem:$0x3FB0];
	_ =	sdelay $0x3  }
0x34: {  	[smem:$0x3FB0] =	sst s10  }
0x35: {  	s10 =	sld [smem:$0x3FAF];
	_ =	sdelay $0x3  }
0x36: {  	p1 =	seq.s32 s10, $0x1;
	s10 =	sld [smem:$0x3FB0];
	_ =	sdelay $0x3  }
0x37: {  	[smem:$0x3FB0] =	sst s10  }
0x38: {  	s10 =	sld [smem:$0x3FB1]  }
0x39: {  	_ = 	snop;
	(pc) =	sbr.ind lr, $3  }
0x3a: {  	_ = 	snop  }
0x3b: {  	_ = 	snop  }
0x3c: {  	p2 =	seq.s32 s10, $0x1;
	s10 =	sld [smem:$0x3FB0]  }
0x3d: {  	_ =	shalt  }
0x3e: {  	_ =	shalt  }
0x3f: {  	_ =	shalt  }
0x40: {  	_ =	shalt  }
0x41: {  	_ =	shalt  }
0x42: {  	_ =	shalt  }
0x43: {  	_ =	shalt  }
0x44: {  	_ =	shalt  }
0x45: {  	_ =	shalt  }
0x46: {  	_ =	shalt  }
0x47: {  	_ =	shalt  }
0x48: {  	_ =	shalt  }
0x49: {  	_ =	shalt  }
0x4a: {  	_ =	shalt  }
0x4b: {  	_ =	shalt  }
0x4c: {  	_ =	shalt  }
0x4d: {  	_ =	shalt  }
0x4e: {  	_ =	shalt  }
0x4f: {  	_ =	shalt  }
0x50: {  	_ =	shalt  }
0x51: {  	_ =	shalt  }
0x52: {  	_ =	shalt  }
0x53: {  	_ =	shalt  }
0x54: {  	_ =	shalt  }
0x55: {  	_ =	shalt  }
0x56: {  	_ =	shalt  }
0x57: {  	_ =	shalt  }
0x58: {  	_ =	shalt  }
0x59: {  	_ =	shalt  }
0x5a: {  	_ =	shalt  }
0x5b: {  	_ =	shalt  }
0x5c: {  	_ =	shalt  }
0x5d: {  	_ =	shalt  }
0x5e: {  	_ =	shalt  }
0x5f: {  	_ =	shalt  }
0x60: {  	_ =	shalt  }
0x61: {  	_ =	shalt  }
0x62: {  	_ =	shalt  }
0x63: {  	_ =	shalt  }
0x64: {  	_ =	shalt  }
0x65: {  	_ =	shalt  }
0x66: {  	_ =	shalt  }
0x67: {  	_ =	shalt  }
0x68: {  	_ =	shalt  }
0x69: {  	_ =	shalt  }
0x6a: {  	_ =	shalt  }
0x6b: {  	_ =	shalt  }
0x6c: {  	_ =	shalt  }
0x6d: {  	_ =	shalt  }
0x6e: {  	_ =	shalt  }
0x6f: {  	_ =	shalt  }
0x70: {  	_ =	shalt  }
0x71: {  	_ =	shalt  }
0x72: {  	_ =	shalt  }
0x73: {  	_ =	shalt  }
0x74: {  	_ =	shalt  }
0x75: {  	_ =	shalt  }
0x76: {  	_ =	shalt  }
0x77: {  	_ =	shalt  }
0x78: {  	_ =	shalt  }
0x79: {  	_ =	shalt  }
0x7a: {  	_ =	shalt  }
0x7b: {  	_ =	shalt  }
0x7c: {  	_ =	shalt  }
0x7d: {  	_ =	shalt  }
0x7e: {  	_ =	shalt  }
0x7f: {  	_ =	shalt  }
0x80: {  	_ =	shalt  }
0x81: {  	_ =	shalt  }
0x82: {  	_ =	shalt  }
0x83: {  	_ =	shalt  }
0x84: {  	_ =	shalt  }
0x85: {  	_ =	shalt  }
0x86: {  	_ =	shalt  }
0x87: {  	_ =	shalt  }
.Lfunc_end0:
.L_simem_size_0:
called_computation.1_lowered:
.L_overlay_start_0:
0x88: {  	s2 =	sld [smem:$0x3FD9]  }
0x89: {  	s3 =	sld [smem:$0x3FFE];
	_ =	sdelay $0x1  }
0x8a: {  	s1 =	srdreg.scid  }
0x8b: {  	s0 =	sand.u32 $0x1, s1  }
0x8c: {  	s16 =	sshll.u32 s0, $0xA;
	s2 =	sadd.s32 s3, s2  }
0x8d: {  	s2 =	sadd.s32 s2, s16  }
0x8e: {  	[smem:$0x3FBC] =	sst s2  }
0x8f: {  	_ = 	snop  }
0x90: {  	(tm) =	ssettm $0x1  }
0x91: {  	s17 =	sld [smem:$0x3FFB];
	_ =	sdelay $0x3  }
0x92: {  	_ =	strace s17  }
0x93: {  	s2 =	sld [smem:$0x3FFC];
	_ =	sdelay $0x3  }
0x94: {  	_ =	strace s2  }
0x95: {  	s2 =	sld [smem:$0x3FFD];
	_ =	sdelay $0x3  }
0x96: {  	_ =	strace s2  }
0x97: {  	_ =	strace $0x8FFFFFFF  }
0x98: {  	s18 =	sld [smem:$0x3FDB];
	_ =	sdelay $0x1  }
0x99: {  	s19 =	simm.s32 $_scs_section_size  }
0x9a: {  	s4 =	simm.s32 $_size__tile_overlayer_lowered;
	s5 =	simm.s32 $_tile_overlayer_lowered  }
0x9b: {  	s22 =	simm.s32 $0x1BFF;
	s21 =	sshll.u32 s5, $0x1;
	s2 =	sadd.s32 s19, s18  }
0x9c: {  	s6 =	simm.s32 $0x0;
	s20 =	sshll.u32 s4, $0x1;
	s4 =	sadd.s32 s21, s2  }
0x9d: {  	[timem:s6], [sflag:s22] =	dma.local [hbm:s4], s20  }
0x9e: {  	_ =	swait.ge [sflag:s22], s20  }
0x9f: {  	s3 =	ssub.s32 $0x0, s20;
	[sflag:s22] =	ssyncset.done $0x0  }
0xa0: {  	[sflag:s22] =	ssyncadd.s32 s3;
	_ =	sdelay $0x1  }
0xa1: {  	s23 =	simm.s32 $0x1B8B  }
0xa2: {  	_ =	swait.ge [sflag:s23], $0x1  }
0xa3: {  	[sflag:s23] =	ssyncset.done $0x0  }
0xa4: {  	s25 =	simm.s32 $0x1B8E;
	s24 =	sld [smem:$0x3FFE];
	[sflag:s23] =	ssyncadd.s32 $0xFFFFFFFF  }
0xa5: {  	s26 =	simm.s32 $execute0_lowered;
	[smem:$0x3FD2] =	sst s25  }
0xa6: {  	s4 =	sshll.u32 s26, $0x1;
	_ =	strace $0x80000049;
	[dreg:$0x1] =	wrdreg $0xFFFFFFFF  }
0xa7: {  	s28 =	simm.s32 $_size_execute0_lowered;
	s2 =	sadd.s32 s2, s4;
	[dreg:$0x0] =	wrdreg $0x0  }
0xa8: {  	s4 =	sshll.u32 s28, $0x1;
	[dreg:$0x2] =	wrdreg s2  }
0xa9: {  	[dreg:$0x3] =	wrdreg s4  }
0xaa: {  	[dreg:$0x4] =	wrdreg $0xC0  }
0xab: {  	_ =	task [dreg:s6], $0x5FFFF  }
0xac: {  	[dreg:$0x1] =	wrdreg $0xFFFFFFFF  }
0xad: {  	[dreg:$0x0] =	wrdreg $0x60  }
0xae: {  	[dreg:$0x2] =	wrdreg s24  }
0xaf: {  	[dreg:$0x3] =	wrdreg $0x18000  }
0xb0: {  	[dreg:$0x4] =	wrdreg $0x2B900  }
0xb1: {  	[dreg:$0x5] =	wrdreg $0x9  }
0xb2: {  	_ =	task.clear_ibuf [dreg:s6], $0x6FFFF;
	_ =	strace $0x90000049  }
0xb3: {  	s29 =	simm.s32 $0x9;
	_ =	strace $0x8000004B  }
0xb4: {  	_ =	swait.ge [sflag:s29], $0x1  }
0xb5: {  	[sflag:s29] =	ssyncadd.s32 $0xFFFFFFFF  }
0xb6: {  	_ =	strace $0x9000004B  }
0xb7: {  	_ =	sfence  }
0xb8: {  	s30 =	sld [smem:$0x0];
	_ =	sdelay $0x2  }
0xb9: {  	s31 =	sshll.u32 s1, $0xD;
	s1 =	sshrl.u32 s1, $0x2  }
0xba: {  	s3 =	sand.u32 $0x4000, s31;
	s1 =	sadd.s32 s1, s30  }
0xbb: {  	s0 =	sor.u32 s3, s0;
	s1 =	sshll.u32 s1, $0x11  }
0xbc: {  	s0 =	sor.u32 s1, s0  }
0xbd: {  	s0 =	sadd.s32 $0x8F2B, s0  }
0xbe: {  	[sflag:s0] =	ssyncadd.remote.s32 $0x1  }
0xbf: {  	_ =	sfence.sel $0xFFFF  }
0xc0: {  	[dreg:$0x0] =	wrdreg $0xFFFFFFFF;
	(pc) =	sbr.abs _section_cstart, $3  }
0xc1: {  	[dreg:$0x1] =	wrdreg $0xFFFFFFFF  }
0xc2: {  	_ =	task.clear_ibuf [dreg:s6], $0x2FFFF;
	_ =	strace $0x9FFFFFFF  }
0xc3: {  	(tm) =	ssettm $0x7FFFFFFF  }
tec
execute0_lowered:
.L_overlay_start_1:
0x0: {  	(tag) =	ssettag $0x1  }
0x1: {  	s0 =	rddreg [dreg:$0x0]  }
0x2: {  	s2 =	rddreg [dreg:$0x1]  }
0x3: {  	s3 =	rddreg [dreg:$0x2]  }
0x4: {  	s14 =	stileid.u32;
	s5 =	srdreg.scid;
	s4 =	simm.s32 $0x0  }
0x5: {  	s16 =	simm.s32 $0x800;
	s17 =	simm.s32 $0x40;
	s18 =	simm.s32 $0x1000  }
0x6: {  	s19 =	simm.s32 $0x1200;
	s20 =	simm.s32 $0x80;
	s21 =	simm.s32 $0x1400  }
0x7: {  	s28 =	simm.s32 $0x4;
	s29 =	simm.s32 $0xF00;
	s1 =	smul.u32 $0x1390, s14  }
0x8: {  	s30 =	simm.s32 $0xF40;
	s31 =	simm.s32 $0xF80;
	s7 =	smul.u32 $0x1400, s14  }
0x9: {  	s8 =	sand.u32 $0x1, s5;
	[smem:$0x7FF] =	sst s4;
	s5 =	sadd.s32 $0x33C00, s0  }
0xa: {  	s6 =	sadd.s32 $0x29C00, s0;
	s13 =	sshll.u32 s14, $0x1;
	s25 =	sshll.u32 s14, $0x6  }
0xb: {  	s14 =	simm.s32 $0x5;
	s9 =	smul.u32 $0x14000, s8;
	_ =	strace $0x8000004A  }
0xc: {  	s12 =	ssub.s32 $0x2, s8;
	s24 =	sor.u32 s8, s13;
	s8 =	sor.u32 $0x1C05, s25  }
0xd: {  	s25 =	simm.s32 $0x2;
	s22 =	sshrl.u32 s1, $0x3;
	s11 =	sshrl.u32 s7, $0x3  }
0xe: {  	s23 =	sshrl.u32 s12, $0x1;
	s1 =	sadd.s32 s1, s2;
	s10 =	sadd.s32 s22, s0  }
0xf: {  	s9 =	sadd.s32 s7, s9;
	s11 =	sadd.s32 s11, s0;
	s7 =	sadd.s32 s7, s3  }
0x10: {  	s13 =	sshrl.u32 s1, $0x3;
	s22 =	simm.s32 $0xC0;
	s9 =	sshrl.u32 s9, $0x3  }
0x11: {  	s10 =	sadd.s32 $0x2A00, s10;
	s26 =	sadd.s32 $0x5200, s11;
	s15 =	sshrl.u32 s7, $0x3  }
0x12: {  	s0 =	sadd.s32 s9, s0;
	s9 =	ssub.s32 s12, s23;
	[dreg:$0x4] =	wrdreg s10  }
0x13: {  	[dreg:$0x5] =	wrdreg s26;
	s10 =	smul.u32 $0x2800, s24;
	s23 =	simm.s32 $0x1600  }
0x14: {  	s24 =	simm.s32 $0x1;
	s26 =	simm.s32 $0x3;
	s0 =	sadd.s32 $0x7A00, s0  }
0x15: {  	s12 =	smax.u32 s9, $0x1;
	[dreg:$0x6] =	wrdreg s0;
	s0 =	simm.s32 $0xFC0  }
.LBB2_1:
0x16: {  	s1 =	rddreg [dreg:$0x4]  }
0x17: {  	[spmem:s13], [sflag:s8] =	dma.local [hbm:s1], $0x272  }
0x18: {  	_ =	swait.ge [sflag:s14], $0x272  }
0x19: {  	[sflag:s14] =	ssyncset.done $0x0  }
0x1a: {  	s11 =	rddreg [dreg:$0x5];
	[sflag:s14] =	ssyncadd.s32 $0xFFFFFD8E  }
0x1b: {  	[spmem:s15], [sflag:s8] =	dma.local [hbm:s11], $0x280  }
0x1c: {  	_ =	swait.ge [sflag:s14], $0x280  }
0x1d: {  	[sflag:s14] =	ssyncset.done $0x0  }
0x1e: {  	[sflag:s14] =	ssyncadd.s32 $0xFFFFFD80  }
0x1f: {  	s1 =	simm.s32 $0x0;
	[bflag:$0x0] =	sbarrier.arrive $0xFFFF  }
.LBB2_2:
0x20: {  	s7 =	sshll.u32 s1, $0xB  }
0x21: {  	s7 =	sadd.s32 s10, s7  }
0x22: {  	s7 =	sshrl.u32 s7, $0x3  }
0x23: {  	s11 =	simm.s32 $0x0;
	s9 =	sadd.s32 s5, s7  }
0x24: {  	[tilespmem:s11], [sflag:$0x5] =	stream.linear.gather [hbm4b:s9+s11], $0x800, $0x38;
	[tilespmem:$0x3F90] =	vst v63  }
0x25: {  	_ =	swait.ge [sflag:s14], $0x800  }
0x26: {  	[sflag:s14] =	ssyncset.done $0x0  }
0x27: {  	s7 =	sadd.s32 s6, s7;
	[sflag:s14] =	ssyncadd.s32 $0xFFFFF800  }
0x28: {  	[tilespmem:s16], [sflag:$0x5] =	stream.linear.gather [hbm4b:s7+s11], $0x800, $0x38;
	[tilespmem:$0x3F90] =	vst v63  }
0x29: {  	_ =	swait.ge [sflag:s14], $0x800  }
0x2a: {  	[sflag:s14] =	ssyncset.done $0x0  }
0x2b: {  	[sflag:s14] =	ssyncadd.s32 $0xFFFFF800  }
0x2c: {  	[tilespmem:s18], [sflag:$0x1] =	stream.indirect.gather [spmem:s2], $0x8, s11, s17, $0xb8;
	[tilespmem:$0x3F90] =	vst v63  }
0x2d: {  	_ = 	snop  }
0x2e: {  	[tilespmem:s19], [sflag:$0x2] =	stream.indirect.gather [spmem:s2], $0x8, s17, s17, $0xb8;
	[tilespmem:$0x3F90] =	vst v63  }
0x2f: {  	_ = 	snop  }
0x30: {  	[tilespmem:s21], [sflag:$0x3] =	stream.indirect.gather [spmem:s2], $0x8, s20, s17, $0xb8;
	[tilespmem:$0x3F90] =	vst v63  }
0x31: {  	_ = 	snop  }
0x32: {  	[tilespmem:s23], [sflag:$0x4] =	stream.indirect.gather [spmem:s2], $0x8, s22, s17, $0xb8;
	[tilespmem:$0x3F90] =	vst v63  }
0x33: {  	_ =	swait.ge [sflag:s24], $0x200  }
0x34: {  	[sflag:s24] =	ssyncset.done $0x0  }
0x35: {  	s11 =	simm.s32 $0x800;
	[sflag:s24] =	ssyncadd.s32 $0xFFFFFE00  }
0x36: {  	[spmem:s3] =	stream.indirect.scatter.add.f32 [tilespmem:s18], [sflag:$0x5], $0x8, s11, s17, $0xb8;
	[tilespmem:$0x3F90] =	vst v63  }
0x37: {  	_ =	swait.ge [sflag:s14], $0x200  }
0x38: {  	[sflag:s14] =	ssyncset.done $0x0  }
0x39: {  	s9 =	simm.s32 $0x100;
	[sflag:s14] =	ssyncadd.s32 $0xFFFFFE00  }
0x3a: {  	[tilespmem:s18], [sflag:$0x1] =	stream.indirect.gather [spmem:s2], $0x8, s9, s17, $0xb8;
	[tilespmem:$0x3F90] =	vst v63  }
0x3b: {  	_ =	swait.ge [sflag:s25], $0x200  }
0x3c: {  	[sflag:s25] =	ssyncset.done $0x0  }
0x3d: {  	s11 =	simm.s32 $0x840;
	[sflag:s25] =	ssyncadd.s32 $0xFFFFFE00  }
0x3e: {  	[spmem:s3] =	stream.indirect.scatter.add.f32 [tilespmem:s19], [sflag:$0x5], $0x8, s11, s17, $0xb8;
	[tilespmem:$0x3F90] =	vst v63  }
0x3f: {  	_ =	swait.ge [sflag:s14], $0x200  }
0x40: {  	[sflag:s14] =	ssyncset.done $0x0  }
0x41: {  	s9 =	simm.s32 $0x140;
	[sflag:s14] =	ssyncadd.s32 $0xFFFFFE00  }
0x42: {  	[tilespmem:s19], [sflag:$0x2] =	stream.indirect.gather [spmem:s2], $0x8, s9, s17, $0xb8;
	[tilespmem:$0x3F90] =	vst v63  }
0x43: {  	_ =	swait.ge [sflag:s26], $0x200  }
0x44: {  	[sflag:s26] =	ssyncset.done $0x0  }
0x45: {  	s11 =	simm.s32 $0x880;
	[sflag:s26] =	ssyncadd.s32 $0xFFFFFE00  }
0x46: {  	[spmem:s3] =	stream.indirect.scatter.add.f32 [tilespmem:s21], [sflag:$0x5], $0x8, s11, s17, $0xb8;
	[tilespmem:$0x3F90] =	vst v63  }
0x47: {  	_ =	swait.ge [sflag:s14], $0x200  }
0x48: {  	[sflag:s14] =	ssyncset.done $0x0  }
0x49: {  	s9 =	simm.s32 $0x180;
	[sflag:s14] =	ssyncadd.s32 $0xFFFFFE00  }
0x4a: {  	[tilespmem:s21], [sflag:$0x3] =	stream.indirect.gather [spmem:s2], $0x8, s9, s17, $0xb8;
	[tilespmem:$0x3F90] =	vst v63  }
0x4b: {  	_ =	swait.ge [sflag:s28], $0x200  }
0x4c: {  	[sflag:s28] =	ssyncset.done $0x0  }
0x4d: {  	s11 =	simm.s32 $0x8C0;
	[sflag:s28] =	ssyncadd.s32 $0xFFFFFE00  }
0x4e: {  	[spmem:s3] =	stream.indirect.scatter.add.f32 [tilespmem:s23], [sflag:$0x5], $0x8, s11, s17, $0xb8;
	[tilespmem:$0x3F90] =	vst v63  }
0x4f: {  	_ =	swait.ge [sflag:s14], $0x200  }
0x50: {  	[sflag:s14] =	ssyncset.done $0x0  }
0x51: {  	s7 =	simm.s32 $0x400;
	s9 =	simm.s32 $0x1C0;
	[sflag:s14] =	ssyncadd.s32 $0xFFFFFE00  }
.LBB2_3:
0x52: {  	[tilespmem:s23], [sflag:$0x4] =	stream.indirect.gather [spmem:s2], $0x8, s9, s17, $0xb8;
	[tilespmem:$0x3F90] =	vst v63  }
0x53: {  	s9 =	smov.u32 s7  }
0x54: {  	p0 =	sne.s32 s7, $0x1800;
	s7 =	sadd.s32 $0x400, s7;
	_ =	swait.ge [sflag:s24], $0x200  }
0x55: {  	s9 =	sshra.s32 s9, $0x2;
	[sflag:s24] =	ssyncset.done $0x0  }
0x56: {  	s11 =	sadd.s32 $0x800, s9;
	[sflag:s24] =	ssyncadd.s32 $0xFFFFFE00  }
0x57: {  	[spmem:s3] =	stream.indirect.scatter.add.f32 [tilespmem:s18], [sflag:$0x5], $0x8, s11, s17, $0xb8;
	[tilespmem:$0x3F90] =	vst v63  }
0x58: {  	_ =	swait.ge [sflag:s14], $0x200  }
0x59: {  	[sflag:s14] =	ssyncset.done $0x0  }
0x5a: {  	s11 =	sadd.s32 $0x100, s9;
	[sflag:s14] =	ssyncadd.s32 $0xFFFFFE00  }
0x5b: {  	[tilespmem:s18], [sflag:$0x1] =	stream.indirect.gather [spmem:s2], $0x8, s11, s17, $0xb8;
	[tilespmem:$0x3F90] =	vst v63  }
0x5c: {  	_ =	swait.ge [sflag:s25], $0x200  }
0x5d: {  	[sflag:s25] =	ssyncset.done $0x0  }
0x5e: {  	s11 =	sadd.s32 $0x840, s9;
	[sflag:s25] =	ssyncadd.s32 $0xFFFFFE00  }
0x5f: {  	[spmem:s3] =	stream.indirect.scatter.add.f32 [tilespmem:s19], [sflag:$0x5], $0x8, s11, s17, $0xb8;
	[tilespmem:$0x3F90] =	vst v63  }
0x60: {  	_ =	swait.ge [sflag:s14], $0x200  }
0x61: {  	[sflag:s14] =	ssyncset.done $0x0  }
0x62: {  	s11 =	sadd.s32 $0x140, s9;
	[sflag:s14] =	ssyncadd.s32 $0xFFFFFE00  }
0x63: {  	[tilespmem:s19], [sflag:$0x2] =	stream.indirect.gather [spmem:s2], $0x8, s11, s17, $0xb8;
	[tilespmem:$0x3F90] =	vst v63  }
0x64: {  	_ =	swait.ge [sflag:s26], $0x200  }
0x65: {  	[sflag:s26] =	ssyncset.done $0x0  }
0x66: {  	s11 =	sadd.s32 $0x880, s9;
	[sflag:s26] =	ssyncadd.s32 $0xFFFFFE00  }
0x67: {  	[spmem:s3] =	stream.indirect.scatter.add.f32 [tilespmem:s21], [sflag:$0x5], $0x8, s11, s17, $0xb8;
	[tilespmem:$0x3F90] =	vst v63  }
0x68: {  	_ =	swait.ge [sflag:s14], $0x200  }
0x69: {  	[sflag:s14] =	ssyncset.done $0x0  }
0x6a: {  	s11 =	sadd.s32 $0x180, s9;
	[sflag:s14] =	ssyncadd.s32 $0xFFFFFE00  }
0x6b: {  	[tilespmem:s21], [sflag:$0x3] =	stream.indirect.gather [spmem:s2], $0x8, s11, s17, $0xb8;
	[tilespmem:$0x3F90] =	vst v63  }
0x6c: {  	_ =	swait.ge [sflag:s28], $0x200  }
0x6d: {  	[sflag:s28] =	ssyncset.done $0x0  }
.Ltmp0:
0x6e: {  	s11 =	sadd.s32 $0x8C0, s9;
	[sflag:s28] =	ssyncadd.s32 $0xFFFFFE00;
	(pc) =	sbr.rel @p0 .LBB2_3-.Ltmp0, $4  }
0x6f: {  	[spmem:s3] =	stream.indirect.scatter.add.f32 [tilespmem:s23], [sflag:$0x5], $0x8, s11, s17, $0xb8;
	[tilespmem:$0x3F90] =	vst v63  }
0x70: {  	_ =	swait.ge [sflag:s14], $0x200  }
0x71: {  	[sflag:s14] =	ssyncset.done $0x0  }
0x72: {  	s9 =	sadd.s32 $0x1C0, s9;
	[sflag:s14] =	ssyncadd.s32 $0xFFFFFE00  }
0x73: {  	[tilespmem:s23], [sflag:$0x4] =	stream.indirect.gather [spmem:s2], $0x8, s9, s17, $0xb8;
	[tilespmem:$0x3F90] =	vst v63  }
0x74: {  	_ =	swait.ge [sflag:s24], $0x200  }
0x75: {  	[sflag:s24] =	ssyncset.done $0x0  }
0x76: {  	[sflag:s24] =	ssyncadd.s32 $0xFFFFFE00  }
0x77: {  	[spmem:s3] =	stream.indirect.scatter.add.f32 [tilespmem:s18], [sflag:$0x5], $0x8, s29, s17, $0xb8;
	[tilespmem:$0x3F90] =	vst v63  }
0x78: {  	_ =	swait.ge [sflag:s14], $0x200  }
0x79: {  	[sflag:s14] =	ssyncset.done $0x0  }
0x7a: {  	[sflag:s14] =	ssyncadd.s32 $0xFFFFFE00  }
0x7b: {  	_ =	swait.ge [sflag:s25], $0x200  }
0x7c: {  	[sflag:s25] =	ssyncset.done $0x0  }
0x7d: {  	[sflag:s25] =	ssyncadd.s32 $0xFFFFFE00  }
0x7e: {  	[spmem:s3] =	stream.indirect.scatter.add.f32 [tilespmem:s19], [sflag:$0x5], $0x8, s30, s17, $0xb8;
	[tilespmem:$0x3F90] =	vst v63  }
0x7f: {  	_ =	swait.ge [sflag:s14], $0x200  }
0x80: {  	[sflag:s14] =	ssyncset.done $0x0  }
0x81: {  	[sflag:s14] =	ssyncadd.s32 $0xFFFFFE00  }
0x82: {  	_ =	swait.ge [sflag:s26], $0x200  }
0x83: {  	[sflag:s26] =	ssyncset.done $0x0  }
0x84: {  	[sflag:s26] =	ssyncadd.s32 $0xFFFFFE00  }
0x85: {  	[spmem:s3] =	stream.indirect.scatter.add.f32 [tilespmem:s21], [sflag:$0x5], $0x8, s31, s17, $0xb8;
	[tilespmem:$0x3F90] =	vst v63  }
0x86: {  	_ =	swait.ge [sflag:s14], $0x200  }
0x87: {  	[sflag:s14] =	ssyncset.done $0x0  }
0x88: {  	[sflag:s14] =	ssyncadd.s32 $0xFFFFFE00  }
0x89: {  	s1 =	sadd.s32 $0x1, s1;
	_ =	swait.ge [sflag:s28], $0x200  }
0x8a: {  	p0 =	sne.s32 s1, $0x5;
	[sflag:s28] =	ssyncset.done $0x0  }
.Ltmp1:
0x8b: {  	[sflag:s28] =	ssyncadd.s32 $0xFFFFFE00;
	(pc) =	sbr.rel @p0 .LBB2_2-.Ltmp1, $4  }
0x8c: {  	[spmem:s3] =	stream.indirect.scatter.add.f32 [tilespmem:s23], [sflag:$0x5], $0x8, s0, s17, $0xb8;
	[tilespmem:$0x3F90] =	vst v63  }
0x8d: {  	_ =	swait.ge [sflag:s14], $0x200  }
0x8e: {  	[sflag:s14] =	ssyncset.done $0x0  }
0x8f: {  	[sflag:s14] =	ssyncadd.s32 $0xFFFFFE00  }
0x90: {  	s4 =	sadd.s32 $0x1, s4  }
0x91: {  	[bflag:$0x0] =	sbarrier.arrive $0xFFFF;
	p0 =	sne.s32 s4, s12  }
.Ltmp2:
0x92: {  	s1 =	rddreg [dreg:$0x6];
	(pc) =	sbr.rel @p0 .LBB2_1-.Ltmp2, $4  }
0x93: {  	[hbm:s1], [sflag:s8] =	dma.local [spmem:s15], $0x280  }
0x94: {  	_ =	swait.ge [sflag:s14], $0x280  }
0x95: {  	[sflag:s14] =	ssyncset.done $0x0  }
0x96: {  	[sflag:s14] =	ssyncadd.s32 $0xFFFFFD80  }
0x97: {  	_ =	sfence.sel $0x180000  }
0x98: {  	[bflag:$0x0] =	sbarrier.arrive $0xFFFF  }
0x99: {  	_ =	strace $0x9000004A  }
0x9a: {  	s0 =	stileid.u32;
	[bflag:$0x2] =	sbarrier.arrive $0xFFFF  }
0x9b: {  	p0 =	sne.s32 s0, $0x0;
	s0 =	rddreg [dreg:$0x3]  }
0x9c: {  	s0 =	sadd.s32 @!p0 $0x100000, s0  }
0x9d: {  	[sflag:s0] =	ssyncadd.tile.s32 @!p0 $0x1;
	_ =	shalt  }
.Lfunc_end2:
_tile_overlayer_lowered:
.L_overlay_start_2:
0x9e: {  	(tag) =	ssettag $0x2  }
0x9f: {  	s0 =	rddreg [dreg:$0x0];
	s2 =	stileid.u32  }
0xa0: {  	s1 =	rddreg [dreg:$0x1];
	p0 =	sne.s32 s2, $0x0  }
0xa1: {  	s3 =	rddreg [dreg:$0x2];
	[bflag:$0x3] =	sbarrier.arrive $0xFFFF;
	s2 =	simm.s32 @!p0 $0x1C05  }
0xa2: {  	[timem:s3], [sflag:s2] =	dma.local @!p0 [hbm:s0], s1  }
0xa3: {  	s0 =	simm.s32 @!p0 $0x5  }
0xa4: {  	_ =	swait.ge @!p0 [sflag:s0], s1  }
0xa5: {  	s1 =	ssub.s32 @!p0 $0x0, s1;
	[sflag:s0] =	ssyncset.done @!p0 $0x0  }
0xa6: {  	[sflag:s0] =	ssyncadd.s32 @!p0 s1  }
0xa7: {  	[bflag:$0x3] =	sbarrier.arrive $0xFFFF  }
0xa8: {  	_ =	shalt  }

</sc_bundles>
